<compile_context>
chip_gen: v7x
topology: tpu7x:2x2x1
jax: 0.10.2.dev20260603
libtpu: 0.0.44.dev20260713+nightly
codegen_flags: <defaults>
</compile_context>

<pallas_src>
import functools

import jax
import jax.numpy as jnp
from jax import lax
from jax.experimental import pallas as pl
from jax.experimental.pallas import tpu as pltpu
from jax.experimental.pallas import tpu_sc as plsc

_BATCH = 128
_POOL_SIZE = 2048
_MAX_CTX = 16384
_DRAFT = 8
_NUM_CORES = 2
_NUM_SUBCORES = 16
_NW = _NUM_CORES * _NUM_SUBCORES
_OUT = _BATCH * _DRAFT
_REQ_PER_W = _BATCH // _NW
_ELEM_PER_W = _REQ_PER_W * _DRAFT
_LANES = 16


def _sc_gather(rpi_hbm, start_hbm, table_hbm):
    mesh = plsc.VectorSubcoreMesh(core_axis_name="c", subcore_axis_name="s")

    @functools.partial(
        pl.kernel,
        mesh=mesh,
        out_type=jax.ShapeDtypeStruct((_OUT,), jnp.int32),
        compiler_params=pltpu.CompilerParams(needs_layout_passes=False),
        scratch_types=[
            pltpu.VMEM((_LANES,), jnp.int32),
            pltpu.VMEM((_LANES,), jnp.int32),
            pltpu.VMEM((_REQ_PER_W, 2, 8, 128), jnp.int32),
            pltpu.VMEM((_ELEM_PER_W,), jnp.int32),
            pltpu.SemaphoreType.DMA,
            pltpu.SemaphoreType.DMA,
        ],
    )
    def k(rpi, start, table, out, rpi_v, start_v, win_v, vals_v, sem, sem2):
        wid = lax.axis_index("s") * _NUM_CORES + lax.axis_index("c")
        base_req = wid * _REQ_PER_W
        base_out = wid * _ELEM_PER_W
        stage = pl.multiple_of(
            jnp.minimum(base_req & -8, _BATCH - _LANES), 8)
        off = base_req - stage
        cp_r = pltpu.async_copy(rpi.at[pl.ds(stage, _LANES)], rpi_v, sem)
        cp_s = pltpu.async_copy(start.at[pl.ds(stage, _LANES)], start_v, sem)
        cp_r.wait()
        cp_s.wait()
        lanes = lax.iota(jnp.int32, _LANES)
        rchunk = plsc.load_gather(rpi_v, [off + (lanes & 3)])
        schunk = plsc.load_gather(start_v, [off + (lanes & 3)])
        copies = []
        crosses = []
        for q in range(_REQ_PER_W):
            row = jnp.max(jnp.where(lanes == q, rchunk, 0))
            col = jnp.max(jnp.where(lanes == q, schunk, 0))
            row_a = pl.multiple_of(row & -8, 8)
            col_a = pl.multiple_of(col & -128, 128)
            copies.append(pltpu.async_copy(
                table.at[pl.ds(row_a, 8), pl.ds(col_a, 128)],
                win_v.at[jnp.int32(q), jnp.int32(0)],
                sem))
            cross = (col & 127) > 120
            crosses.append(cross)
            col_b = pl.multiple_of(jnp.minimum(col_a + 128, _MAX_CTX - 128),
                                   128)

            @pl.when(cross)
            def _(row_a=row_a, col_b=col_b, q=q):
                pltpu.async_copy(
                    table.at[pl.ds(row_a, 8), pl.ds(col_b, 128)],
                    win_v.at[jnp.int32(q), jnp.int32(1)],
                    sem2)

        for q, (cp, cross) in enumerate(zip(copies, crosses)):
            cp.wait()

            @pl.when(cross)
            def _(q=q):
                pltpu.make_async_copy(
                    table.at[pl.ds(0, 8), pl.ds(0, 128)],
                    win_v.at[jnp.int32(q), jnp.int32(1)],
                    sem2).wait()

        for c in range(_ELEM_PER_W // _LANES):
            e = c * _LANES + lanes
            q_idx = e >> 3
            j = e & 7
            r_lane = plsc.load_gather(rpi_v, [off + q_idx])
            s_lane = plsc.load_gather(start_v, [off + q_idx])
            cwin = (s_lane & 127) + j
            vals = plsc.load_gather(
                win_v, [q_idx, cwin >> 7, r_lane & 7, cwin & 127])
            vals_v[pl.ds(c * _LANES, _LANES)] = vals
        pltpu.sync_copy(vals_v, out.at[pl.ds(base_out, _ELEM_PER_W)])

    return k(rpi_hbm, start_hbm, table_hbm)


def kernel(req_pool_indices, req_to_token, start_offset, end_offset,
           batch_size, draft_token_num):
    del end_offset, batch_size, draft_token_num
    rpi = req_pool_indices.astype(jnp.int32)
    start = start_offset.astype(jnp.int32)
    return _sc_gather(rpi, start, req_to_token)

# --- scband reference (transcript-rebuilt; emitter-appended) ---
"""Pipeline reference for scband-model-sglang-60533269069829 (READ-ONLY COPY).

The authoritative reference and input builder live on the scoring server;
editing this copy changes nothing except your own understanding.
"""

import jax
jax.config.update("jax_enable_x64", True)
import jax.numpy as jnp
import numpy as np

BATCH = 128
POOL_SIZE = 2048
MAX_CTX = 16384
DRAFT = 8

def setup_inputs(seed: int = 0):
    key = jax.random.key(seed)
    k1, k2, k3 = jax.random.split(key, 3)
    req_pool_indices = jax.random.randint(k1, (BATCH,), 0, POOL_SIZE, dtype=jnp.int64)
    req_to_token = jax.random.randint(k2, (POOL_SIZE, MAX_CTX), 0, 1048576, dtype=jnp.int32)
    start_offset = jax.random.randint(k3, (BATCH,), 0, MAX_CTX - DRAFT, dtype=jnp.int64)
    end_offset = start_offset + DRAFT
    return {
        "req_pool_indices": req_pool_indices,
        "req_to_token": req_to_token,
        "start_offset": start_offset,
        "end_offset": end_offset,
        "batch_size": BATCH,
        "draft_token_num": DRAFT,
    }

def reference(req_pool_indices, req_to_token, start_offset, end_offset, batch_size, draft_token_num):
    # Faithful translation of sglang assign_extend_cache_locs triton kernel:
    # for each request i, copy req_to_token[req_pool_indices[i], start:end]
    # into out_cache_loc[i*draft_token_num : i*draft_token_num + (end-start)],
    # with end - start == draft_token_num in well-formed inputs.
    static_draft = DRAFT
    static_batch = req_pool_indices.shape[0]
    zero = jnp.asarray(
        batch_size - batch_size + draft_token_num - draft_token_num,
        dtype=start_offset.dtype,
    )
    offs = jnp.arange(static_draft, dtype=start_offset.dtype)
    cols = start_offset[:, None] + offs[None, :] + zero
    mask = offs[None, :] < (end_offset - start_offset)[:, None]
    cols = jnp.clip(cols, 0, req_to_token.shape[1] - 1)
    vals = req_to_token[req_pool_indices[:, None], cols]  # gather [B, draft]
    out = jnp.where(mask, vals, jnp.zeros_like(vals)).reshape(static_batch * static_draft)
    return out

if __name__ == "__main__":
    import jax
    _d = setup_inputs()
    print(jax.jit(kernel)(*tuple(_d.values())))

</pallas_src>

<mosaic_0001>
#map = affine_map<(d0, d1) -> (0)>
#map1 = affine_map<(d0, d1) -> (0, 0)>
module attributes {stable_mosaic.version = 14 : i64} {
  func.func @k(%arg0: i32, %arg1: i32, %arg2: memref<128xi32, #tpu.memory_space<hbm>>, %arg3: memref<128xi32, #tpu.memory_space<hbm>>, %arg4: memref<2048x16384xi32, #tpu.memory_space<hbm>>, %arg5: memref<1024xi32, #tpu.memory_space<hbm>>, %arg6: memref<16xi32, #tpu.memory_space<vmem>>, %arg7: memref<16xi32, #tpu.memory_space<vmem>>, %arg8: memref<4x2x8x128xi32, #tpu.memory_space<vmem>>, %arg9: memref<32xi32, #tpu.memory_space<vmem>>, %arg10: memref<!tpu.dma_semaphore, #tpu.memory_space<semaphore_mem>>, %arg11: memref<!tpu.dma_semaphore, #tpu.memory_space<semaphore_mem>>) attributes {dimension_semantics = [#tpu.dimension_semantics<core_parallel>, #tpu.dimension_semantics<subcore_parallel>], iteration_bounds = array<i64: 2, 16>, scalar_prefetch = 0 : i64, scratch_operands = 6 : i64, tpu.core_type = #tpu.core_type<sc_vector_subcore>, window_params = [{transform_indices = #map}, {transform_indices = #map}, {transform_indices = #map1}, {transform_indices = #map}]} {
    %mul3A = arith.constant 2 : i32
    %mul3A_0 = arith.muli %arg1, %mul3A : i32
    %add3A = arith.addi %mul3A_0, %arg0 : i32
    %mul3A_1 = arith.constant 4 : i32
    %mul3A_2 = arith.muli %add3A, %mul3A_1 : i32
    %mul3A_3 = arith.constant 32 : i32
    %mul3A_4 = arith.muli %add3A, %mul3A_3 : i32
    %and3A = arith.constant -8 : i32
    %and3A_5 = arith.andi %mul3A_2, %and3A : i32
    %min3A = arith.constant 112 : i32
    %min3A_6 = arith.minsi %and3A_5, %min3A : i32
    %multiple_of3A = tpu.assume_multiple %min3A_6, 8 : i32
    %sub3A = arith.subi %mul3A_2, %multiple_of3A : i32
    %dma_start3A = tpu.memref_slice %arg2[%multiple_of3A] : memref<128xi32, #tpu.memory_space<hbm>> -> memref<16xi32, #tpu.memory_space<hbm>>
    %dma_start3A_7 = tpu.memref_slice %arg2[%multiple_of3A] : memref<128xi32, #tpu.memory_space<hbm>> -> memref<16xi32, #tpu.memory_space<hbm>>
    tpu.enqueue_dma source(%dma_start3A_7 : memref<16xi32, #tpu.memory_space<hbm>>) target(%arg6 : memref<16xi32, #tpu.memory_space<vmem>>) target_semaphore(%arg10 : memref<!tpu.dma_semaphore, #tpu.memory_space<semaphore_mem>>)
    %dma_start3A_8 = tpu.memref_slice %arg3[%multiple_of3A] : memref<128xi32, #tpu.memory_space<hbm>> -> memref<16xi32, #tpu.memory_space<hbm>>
    %dma_start3A_9 = tpu.memref_slice %arg3[%multiple_of3A] : memref<128xi32, #tpu.memory_space<hbm>> -> memref<16xi32, #tpu.memory_space<hbm>>
    tpu.enqueue_dma source(%dma_start3A_9 : memref<16xi32, #tpu.memory_space<hbm>>) target(%arg7 : memref<16xi32, #tpu.memory_space<vmem>>) target_semaphore(%arg10 : memref<!tpu.dma_semaphore, #tpu.memory_space<semaphore_mem>>)
    %dma_wait3A = tpu.memref_slice %arg2[%multiple_of3A] : memref<128xi32, #tpu.memory_space<hbm>> -> memref<16xi32, #tpu.memory_space<hbm>>
    %dma_wait3A_10 = tpu.memref_slice %arg2[%multiple_of3A] : memref<128xi32, #tpu.memory_space<hbm>> -> memref<16xi32, #tpu.memory_space<hbm>>
    tpu.wait_dma2 semaphore(%arg10 : memref<!tpu.dma_semaphore, #tpu.memory_space<semaphore_mem>>) src(%dma_wait3A_10 : memref<16xi32, #tpu.memory_space<hbm>>) dst(%arg6 : memref<16xi32, #tpu.memory_space<vmem>>)
    %dma_wait3A_11 = tpu.memref_slice %arg3[%multiple_of3A] : memref<128xi32, #tpu.memory_space<hbm>> -> memref<16xi32, #tpu.memory_space<hbm>>
    %dma_wait3A_12 = tpu.memref_slice %arg3[%multiple_of3A] : memref<128xi32, #tpu.memory_space<hbm>> -> memref<16xi32, #tpu.memory_space<hbm>>
    tpu.wait_dma2 semaphore(%arg10 : memref<!tpu.dma_semaphore, #tpu.memory_space<semaphore_mem>>) src(%dma_wait3A_12 : memref<16xi32, #tpu.memory_space<hbm>>) dst(%arg7 : memref<16xi32, #tpu.memory_space<vmem>>)
    %iota3A = tpu.iota {dimensions = array<i32: 0>} : vector<16xi32>
    %and3A_13 = arith.constant 3 : i32
    %and3A_14 = vector.broadcast %and3A_13 : i32 to vector<16xi32>
    %and3A_15 = arith.andi %iota3A, %and3A_14 : vector<16xi32>
    %add3A_16 = vector.broadcast %sub3A : i32 to vector<16xi32>
    %add3A_17 = arith.addi %add3A_16, %and3A_15 : vector<16xi32>
    %gather3A = tpu.vector_load_idx %arg6[%add3A_17] : memref<16xi32, #tpu.memory_space<vmem>>[vector<16xi32>], vector<16xi32>,
    %and3A_18 = arith.constant 3 : i32
    %and3A_19 = vector.broadcast %and3A_18 : i32 to vector<16xi32>
    %and3A_20 = arith.andi %iota3A, %and3A_19 : vector<16xi32>
    %add3A_21 = vector.broadcast %sub3A : i32 to vector<16xi32>
    %add3A_22 = arith.addi %add3A_21, %and3A_20 : vector<16xi32>
    %gather3A_23 = tpu.vector_load_idx %arg7[%add3A_22] : memref<16xi32, #tpu.memory_space<vmem>>[vector<16xi32>], vector<16xi32>,
    %eq3A = arith.constant 0 : i32
    %eq3A_24 = vector.broadcast %eq3A : i32 to vector<16xi32>
    %eq3A_25 = arith.cmpi eq, %iota3A, %eq3A_24 : vector<16xi32>
    %jit3A = arith.constant 0 : i64
    %convert_element_type3A = arith.trunci %jit3A : i64 to i32
    %broadcast_in_dim3A = vector.broadcast %convert_element_type3A : i32 to vector<16xi32>
    %select_n3A = arith.select %eq3A_25, %gather3A, %broadcast_in_dim3A : vector<16xi1>, vector<16xi32>
    %reduce_max3A = arith.constant true
    %reduce_max3A_26 = vector.broadcast %reduce_max3A : i1 to vector<16xi1>
    %reduce_max3A_27 = arith.constant -2147483648 : i32
    %reduce_max3A_28 = vector.broadcast %reduce_max3A_27 : i32 to vector<16xi32>
    %reduce_max3A_29 = arith.xori %select_n3A, %reduce_max3A_28 : vector<16xi32>
    %reduce_max3A_30 = tpu.scan <max>, %reduce_max3A_29 masked %reduce_max3A_26 : vector<16xi32>, vector<16xi1> -> vector<16xi32>
    %reduce_max3A_31 = arith.xori %reduce_max3A_30, %reduce_max3A_28 : vector<16xi32>
    %reduce_max3A_32 = vector.extract %reduce_max3A_31[15] : i32 from vector<16xi32>
    %eq3A_33 = arith.constant 0 : i32
    %eq3A_34 = vector.broadcast %eq3A_33 : i32 to vector<16xi32>
    %eq3A_35 = arith.cmpi eq, %iota3A, %eq3A_34 : vector<16xi32>
    %jit3A_36 = arith.constant 0 : i64
    %convert_element_type3A_37 = arith.trunci %jit3A_36 : i64 to i32
    %broadcast_in_dim3A_38 = vector.broadcast %convert_element_type3A_37 : i32 to vector<16xi32>
    %select_n3A_39 = arith.select %eq3A_35, %gather3A_23, %broadcast_in_dim3A_38 : vector<16xi1>, vector<16xi32>
    %reduce_max3A_40 = arith.constant true
    %reduce_max3A_41 = vector.broadcast %reduce_max3A_40 : i1 to vector<16xi1>
    %reduce_max3A_42 = arith.constant -2147483648 : i32
    %reduce_max3A_43 = vector.broadcast %reduce_max3A_42 : i32 to vector<16xi32>
    %reduce_max3A_44 = arith.xori %select_n3A_39, %reduce_max3A_43 : vector<16xi32>
    %reduce_max3A_45 = tpu.scan <max>, %reduce_max3A_44 masked %reduce_max3A_41 : vector<16xi32>, vector<16xi1> -> vector<16xi32>
    %reduce_max3A_46 = arith.xori %reduce_max3A_45, %reduce_max3A_43 : vector<16xi32>
    %reduce_max3A_47 = vector.extract %reduce_max3A_46[15] : i32 from vector<16xi32>
    %and3A_48 = arith.constant -8 : i32
    %and3A_49 = arith.andi %reduce_max3A_32, %and3A_48 : i32
    %multiple_of3A_50 = tpu.assume_multiple %and3A_49, 8 : i32
    %and3A_51 = arith.constant -128 : i32
    %and3A_52 = arith.andi %reduce_max3A_47, %and3A_51 : i32
    %multiple_of3A_53 = tpu.assume_multiple %and3A_52, 128 : i32
    %dma_start3A_54 = arith.constant 0 : i32
    %dma_start3A_55 = arith.constant 0 : i32
    %dma_start3A_56 = arith.constant 0 : i32
    %dma_start3A_57 = arith.constant 0 : i32
    %dma_start3A_58 = tpu.memref_slice %arg8[%dma_start3A_54, %dma_start3A_55, %dma_start3A_56, %dma_start3A_57] : memref<4x2x8x128xi32, #tpu.memory_space<vmem>> -> memref<1x1x8x128xi32, #tpu.memory_space<vmem>>
    %dma_start3A_59 = tpu.memref_squeeze %dma_start3A_58 : memref<1x1x8x128xi32, #tpu.memory_space<vmem>> -> memref<8x128xi32, #tpu.memory_space<vmem>>
    %dma_start3A_60 = tpu.memref_slice %arg4[%multiple_of3A_50, %multiple_of3A_53] : memref<2048x16384xi32, #tpu.memory_space<hbm>> -> memref<8x128xi32, #tpu.memory_space<hbm>>
    %dma_start3A_61 = arith.constant 0 : i32
    %dma_start3A_62 = arith.constant 0 : i32
    %dma_start3A_63 = tpu.memref_slice %arg8[%dma_start3A_54, %dma_start3A_55, %dma_start3A_61, %dma_start3A_62] : memref<4x2x8x128xi32, #tpu.memory_space<vmem>> -> memref<1x1x8x128xi32, #tpu.memory_space<vmem>>
    %dma_start3A_64 = tpu.memref_squeeze %dma_start3A_63 : memref<1x1x8x128xi32, #tpu.memory_space<vmem>> -> memref<8x128xi32, #tpu.memory_space<vmem>>
    %dma_start3A_65 = tpu.memref_slice %arg4[%multiple_of3A_50, %multiple_of3A_53] : memref<2048x16384xi32, #tpu.memory_space<hbm>> -> memref<8x128xi32, #tpu.memory_space<hbm>>
    tpu.enqueue_dma source(%dma_start3A_65 : memref<8x128xi32, #tpu.memory_space<hbm>>) target(%dma_start3A_64 : memref<8x128xi32, #tpu.memory_space<vmem>>) target_semaphore(%arg10 : memref<!tpu.dma_semaphore, #tpu.memory_space<semaphore_mem>>)
    %and3A_66 = arith.constant 127 : i32
    %and3A_67 = arith.andi %reduce_max3A_47, %and3A_66 : i32
    %gt3A = arith.constant 120 : i32
    %gt3A_68 = arith.cmpi sgt, %and3A_67, %gt3A : i32
    %add3A_69 = arith.constant 128 : i32
    %add3A_70 = arith.addi %multiple_of3A_53, %add3A_69 : i32
    %min3A_71 = arith.constant 16256 : i32
    %min3A_72 = arith.minsi %add3A_70, %min3A_71 : i32
    %multiple_of3A_73 = tpu.assume_multiple %min3A_72, 128 : i32
    %convert_element_type3A_74 = arith.extui %gt3A_68 : i1 to i32
    %cond3A = arith.constant 0 : i32
    %cond3A_75 = arith.cmpi ne, %convert_element_type3A_74, %cond3A : i32
    scf.if %cond3A_75 {
      %dma_start3A_376 = arith.constant 0 : i32
      %dma_start3A_377 = arith.constant 1 : i32
      %dma_start3A_378 = arith.constant 0 : i32
      %dma_start3A_379 = arith.constant 0 : i32
      %dma_start3A_380 = tpu.memref_slice %arg8[%dma_start3A_376, %dma_start3A_377, %dma_start3A_378, %dma_start3A_379] : memref<4x2x8x128xi32, #tpu.memory_space<vmem>> -> memref<1x1x8x128xi32, #tpu.memory_space<vmem>>
      %dma_start3A_381 = tpu.memref_squeeze %dma_start3A_380 : memref<1x1x8x128xi32, #tpu.memory_space<vmem>> -> memref<8x128xi32, #tpu.memory_space<vmem>>
      %dma_start3A_382 = tpu.memref_slice %arg4[%multiple_of3A_50, %multiple_of3A_73] : memref<2048x16384xi32, #tpu.memory_space<hbm>> -> memref<8x128xi32, #tpu.memory_space<hbm>>
      %dma_start3A_383 = arith.constant 0 : i32
      %dma_start3A_384 = arith.constant 0 : i32
      %dma_start3A_385 = tpu.memref_slice %arg8[%dma_start3A_376, %dma_start3A_377, %dma_start3A_383, %dma_start3A_384] : memref<4x2x8x128xi32, #tpu.memory_space<vmem>> -> memref<1x1x8x128xi32, #tpu.memory_space<vmem>>
      %dma_start3A_386 = tpu.memref_squeeze %dma_start3A_385 : memref<1x1x8x128xi32, #tpu.memory_space<vmem>> -> memref<8x128xi32, #tpu.memory_space<vmem>>
      %dma_start3A_387 = tpu.memref_slice %arg4[%multiple_of3A_50, %multiple_of3A_73] : memref<2048x16384xi32, #tpu.memory_space<hbm>> -> memref<8x128xi32, #tpu.memory_space<hbm>>
      tpu.enqueue_dma source(%dma_start3A_387 : memref<8x128xi32, #tpu.memory_space<hbm>>) target(%dma_start3A_386 : memref<8x128xi32, #tpu.memory_space<vmem>>) target_semaphore(%arg11 : memref<!tpu.dma_semaphore, #tpu.memory_space<semaphore_mem>>)
    } else {
    }
    %eq3A_76 = arith.constant 1 : i32
    %eq3A_77 = vector.broadcast %eq3A_76 : i32 to vector<16xi32>
    %eq3A_78 = arith.cmpi eq, %iota3A, %eq3A_77 : vector<16xi32>
    %jit3A_79 = arith.constant 0 : i64
    %convert_element_type3A_80 = arith.trunci %jit3A_79 : i64 to i32
    %broadcast_in_dim3A_81 = vector.broadcast %convert_element_type3A_80 : i32 to vector<16xi32>
    %select_n3A_82 = arith.select %eq3A_78, %gather3A, %broadcast_in_dim3A_81 : vector<16xi1>, vector<16xi32>
    %reduce_max3A_83 = arith.constant true
    %reduce_max3A_84 = vector.broadcast %reduce_max3A_83 : i1 to vector<16xi1>
    %reduce_max3A_85 = arith.constant -2147483648 : i32
    %reduce_max3A_86 = vector.broadcast %reduce_max3A_85 : i32 to vector<16xi32>
    %reduce_max3A_87 = arith.xori %select_n3A_82, %reduce_max3A_86 : vector<16xi32>
    %reduce_max3A_88 = tpu.scan <max>, %reduce_max3A_87 masked %reduce_max3A_84 : vector<16xi32>, vector<16xi1> -> vector<16xi32>
    %reduce_max3A_89 = arith.xori %reduce_max3A_88, %reduce_max3A_86 : vector<16xi32>
    %reduce_max3A_90 = vector.extract %reduce_max3A_89[15] : i32 from vector<16xi32>
    %eq3A_91 = arith.constant 1 : i32
    %eq3A_92 = vector.broadcast %eq3A_91 : i32 to vector<16xi32>
    %eq3A_93 = arith.cmpi eq, %iota3A, %eq3A_92 : vector<16xi32>
    %jit3A_94 = arith.constant 0 : i64
    %convert_element_type3A_95 = arith.trunci %jit3A_94 : i64 to i32
    %broadcast_in_dim3A_96 = vector.broadcast %convert_element_type3A_95 : i32 to vector<16xi32>
    %select_n3A_97 = arith.select %eq3A_93, %gather3A_23, %broadcast_in_dim3A_96 : vector<16xi1>, vector<16xi32>
    %reduce_max3A_98 = arith.constant true
    %reduce_max3A_99 = vector.broadcast %reduce_max3A_98 : i1 to vector<16xi1>
    %reduce_max3A_100 = arith.constant -2147483648 : i32
    %reduce_max3A_101 = vector.broadcast %reduce_max3A_100 : i32 to vector<16xi32>
    %reduce_max3A_102 = arith.xori %select_n3A_97, %reduce_max3A_101 : vector<16xi32>
    %reduce_max3A_103 = tpu.scan <max>, %reduce_max3A_102 masked %reduce_max3A_99 : vector<16xi32>, vector<16xi1> -> vector<16xi32>
    %reduce_max3A_104 = arith.xori %reduce_max3A_103, %reduce_max3A_101 : vector<16xi32>
    %reduce_max3A_105 = vector.extract %reduce_max3A_104[15] : i32 from vector<16xi32>
    %and3A_106 = arith.constant -8 : i32
    %and3A_107 = arith.andi %reduce_max3A_90, %and3A_106 : i32
    %multiple_of3A_108 = tpu.assume_multiple %and3A_107, 8 : i32
    %and3A_109 = arith.constant -128 : i32
    %and3A_110 = arith.andi %reduce_max3A_105, %and3A_109 : i32
    %multiple_of3A_111 = tpu.assume_multiple %and3A_110, 128 : i32
    %dma_start3A_112 = arith.constant 1 : i32
    %dma_start3A_113 = arith.constant 0 : i32
    %dma_start3A_114 = arith.constant 0 : i32
    %dma_start3A_115 = arith.constant 0 : i32
    %dma_start3A_116 = tpu.memref_slice %arg8[%dma_start3A_112, %dma_start3A_113, %dma_start3A_114, %dma_start3A_115] : memref<4x2x8x128xi32, #tpu.memory_space<vmem>> -> memref<1x1x8x128xi32, #tpu.memory_space<vmem>>
    %dma_start3A_117 = tpu.memref_squeeze %dma_start3A_116 : memref<1x1x8x128xi32, #tpu.memory_space<vmem>> -> memref<8x128xi32, #tpu.memory_space<vmem>>
    %dma_start3A_118 = tpu.memref_slice %arg4[%multiple_of3A_108, %multiple_of3A_111] : memref<2048x16384xi32, #tpu.memory_space<hbm>> -> memref<8x128xi32, #tpu.memory_space<hbm>>
    %dma_start3A_119 = arith.constant 0 : i32
    %dma_start3A_120 = arith.constant 0 : i32
    %dma_start3A_121 = tpu.memref_slice %arg8[%dma_start3A_112, %dma_start3A_113, %dma_start3A_119, %dma_start3A_120] : memref<4x2x8x128xi32, #tpu.memory_space<vmem>> -> memref<1x1x8x128xi32, #tpu.memory_space<vmem>>
    %dma_start3A_122 = tpu.memref_squeeze %dma_start3A_121 : memref<1x1x8x128xi32, #tpu.memory_space<vmem>> -> memref<8x128xi32, #tpu.memory_space<vmem>>
    %dma_start3A_123 = tpu.memref_slice %arg4[%multiple_of3A_108, %multiple_of3A_111] : memref<2048x16384xi32, #tpu.memory_space<hbm>> -> memref<8x128xi32, #tpu.memory_space<hbm>>
    tpu.enqueue_dma source(%dma_start3A_123 : memref<8x128xi32, #tpu.memory_space<hbm>>) target(%dma_start3A_122 : memref<8x128xi32, #tpu.memory_space<vmem>>) target_semaphore(%arg10 : memref<!tpu.dma_semaphore, #tpu.memory_space<semaphore_mem>>)
    %and3A_124 = arith.constant 127 : i32
    %and3A_125 = arith.andi %reduce_max3A_105, %and3A_124 : i32
    %gt3A_126 = arith.constant 120 : i32
    %gt3A_127 = arith.cmpi sgt, %and3A_125, %gt3A_126 : i32
    %add3A_128 = arith.constant 128 : i32
    %add3A_129 = arith.addi %multiple_of3A_111, %add3A_128 : i32
    %min3A_130 = arith.constant 16256 : i32
    %min3A_131 = arith.minsi %add3A_129, %min3A_130 : i32
    %multiple_of3A_132 = tpu.assume_multiple %min3A_131, 128 : i32
    %convert_element_type3A_133 = arith.extui %gt3A_127 : i1 to i32
    %cond3A_134 = arith.constant 0 : i32
    %cond3A_135 = arith.cmpi ne, %convert_element_type3A_133, %cond3A_134 : i32
    scf.if %cond3A_135 {
      %dma_start3A_376 = arith.constant 1 : i32
      %dma_start3A_377 = arith.constant 1 : i32
      %dma_start3A_378 = arith.constant 0 : i32
      %dma_start3A_379 = arith.constant 0 : i32
      %dma_start3A_380 = tpu.memref_slice %arg8[%dma_start3A_376, %dma_start3A_377, %dma_start3A_378, %dma_start3A_379] : memref<4x2x8x128xi32, #tpu.memory_space<vmem>> -> memref<1x1x8x128xi32, #tpu.memory_space<vmem>>
      %dma_start3A_381 = tpu.memref_squeeze %dma_start3A_380 : memref<1x1x8x128xi32, #tpu.memory_space<vmem>> -> memref<8x128xi32, #tpu.memory_space<vmem>>
      %dma_start3A_382 = tpu.memref_slice %arg4[%multiple_of3A_108, %multiple_of3A_132] : memref<2048x16384xi32, #tpu.memory_space<hbm>> -> memref<8x128xi32, #tpu.memory_space<hbm>>
      %dma_start3A_383 = arith.constant 0 : i32
      %dma_start3A_384 = arith.constant 0 : i32
      %dma_start3A_385 = tpu.memref_slice %arg8[%dma_start3A_376, %dma_start3A_377, %dma_start3A_383, %dma_start3A_384] : memref<4x2x8x128xi32, #tpu.memory_space<vmem>> -> memref<1x1x8x128xi32, #tpu.memory_space<vmem>>
      %dma_start3A_386 = tpu.memref_squeeze %dma_start3A_385 : memref<1x1x8x128xi32, #tpu.memory_space<vmem>> -> memref<8x128xi32, #tpu.memory_space<vmem>>
      %dma_start3A_387 = tpu.memref_slice %arg4[%multiple_of3A_108, %multiple_of3A_132] : memref<2048x16384xi32, #tpu.memory_space<hbm>> -> memref<8x128xi32, #tpu.memory_space<hbm>>
      tpu.enqueue_dma source(%dma_start3A_387 : memref<8x128xi32, #tpu.memory_space<hbm>>) target(%dma_start3A_386 : memref<8x128xi32, #tpu.memory_space<vmem>>) target_semaphore(%arg11 : memref<!tpu.dma_semaphore, #tpu.memory_space<semaphore_mem>>)
    } else {
    }
    %eq3A_136 = arith.constant 2 : i32
    %eq3A_137 = vector.broadcast %eq3A_136 : i32 to vector<16xi32>
    %eq3A_138 = arith.cmpi eq, %iota3A, %eq3A_137 : vector<16xi32>
    %jit3A_139 = arith.constant 0 : i64
    %convert_element_type3A_140 = arith.trunci %jit3A_139 : i64 to i32
    %broadcast_in_dim3A_141 = vector.broadcast %convert_element_type3A_140 : i32 to vector<16xi32>
    %select_n3A_142 = arith.select %eq3A_138, %gather3A, %broadcast_in_dim3A_141 : vector<16xi1>, vector<16xi32>
    %reduce_max3A_143 = arith.constant true
    %reduce_max3A_144 = vector.broadcast %reduce_max3A_143 : i1 to vector<16xi1>
    %reduce_max3A_145 = arith.constant -2147483648 : i32
    %reduce_max3A_146 = vector.broadcast %reduce_max3A_145 : i32 to vector<16xi32>
    %reduce_max3A_147 = arith.xori %select_n3A_142, %reduce_max3A_146 : vector<16xi32>
    %reduce_max3A_148 = tpu.scan <max>, %reduce_max3A_147 masked %reduce_max3A_144 : vector<16xi32>, vector<16xi1> -> vector<16xi32>
    %reduce_max3A_149 = arith.xori %reduce_max3A_148, %reduce_max3A_146 : vector<16xi32>
    %reduce_max3A_150 = vector.extract %reduce_max3A_149[15] : i32 from vector<16xi32>
    %eq3A_151 = arith.constant 2 : i32
    %eq3A_152 = vector.broadcast %eq3A_151 : i32 to vector<16xi32>
    %eq3A_153 = arith.cmpi eq, %iota3A, %eq3A_152 : vector<16xi32>
    %jit3A_154 = arith.constant 0 : i64
    %convert_element_type3A_155 = arith.trunci %jit3A_154 : i64 to i32
    %broadcast_in_dim3A_156 = vector.broadcast %convert_element_type3A_155 : i32 to vector<16xi32>
    %select_n3A_157 = arith.select %eq3A_153, %gather3A_23, %broadcast_in_dim3A_156 : vector<16xi1>, vector<16xi32>
    %reduce_max3A_158 = arith.constant true
    %reduce_max3A_159 = vector.broadcast %reduce_max3A_158 : i1 to vector<16xi1>
    %reduce_max3A_160 = arith.constant -2147483648 : i32
    %reduce_max3A_161 = vector.broadcast %reduce_max3A_160 : i32 to vector<16xi32>
    %reduce_max3A_162 = arith.xori %select_n3A_157, %reduce_max3A_161 : vector<16xi32>
    %reduce_max3A_163 = tpu.scan <max>, %reduce_max3A_162 masked %reduce_max3A_159 : vector<16xi32>, vector<16xi1> -> vector<16xi32>
    %reduce_max3A_164 = arith.xori %reduce_max3A_163, %reduce_max3A_161 : vector<16xi32>
    %reduce_max3A_165 = vector.extract %reduce_max3A_164[15] : i32 from vector<16xi32>
    %and3A_166 = arith.constant -8 : i32
    %and3A_167 = arith.andi %reduce_max3A_150, %and3A_166 : i32
    %multiple_of3A_168 = tpu.assume_multiple %and3A_167, 8 : i32
    %and3A_169 = arith.constant -128 : i32
    %and3A_170 = arith.andi %reduce_max3A_165, %and3A_169 : i32
    %multiple_of3A_171 = tpu.assume_multiple %and3A_170, 128 : i32
    %dma_start3A_172 = arith.constant 2 : i32
    %dma_start3A_173 = arith.constant 0 : i32
    %dma_start3A_174 = arith.constant 0 : i32
    %dma_start3A_175 = arith.constant 0 : i32
    %dma_start3A_176 = tpu.memref_slice %arg8[%dma_start3A_172, %dma_start3A_173, %dma_start3A_174, %dma_start3A_175] : memref<4x2x8x128xi32, #tpu.memory_space<vmem>> -> memref<1x1x8x128xi32, #tpu.memory_space<vmem>>
    %dma_start3A_177 = tpu.memref_squeeze %dma_start3A_176 : memref<1x1x8x128xi32, #tpu.memory_space<vmem>> -> memref<8x128xi32, #tpu.memory_space<vmem>>
    %dma_start3A_178 = tpu.memref_slice %arg4[%multiple_of3A_168, %multiple_of3A_171] : memref<2048x16384xi32, #tpu.memory_space<hbm>> -> memref<8x128xi32, #tpu.memory_space<hbm>>
    %dma_start3A_179 = arith.constant 0 : i32
    %dma_start3A_180 = arith.constant 0 : i32
    %dma_start3A_181 = tpu.memref_slice %arg8[%dma_start3A_172, %dma_start3A_173, %dma_start3A_179, %dma_start3A_180] : memref<4x2x8x128xi32, #tpu.memory_space<vmem>> -> memref<1x1x8x128xi32, #tpu.memory_space<vmem>>
    %dma_start3A_182 = tpu.memref_squeeze %dma_start3A_181 : memref<1x1x8x128xi32, #tpu.memory_space<vmem>> -> memref<8x128xi32, #tpu.memory_space<vmem>>
    %dma_start3A_183 = tpu.memref_slice %arg4[%multiple_of3A_168, %multiple_of3A_171] : memref<2048x16384xi32, #tpu.memory_space<hbm>> -> memref<8x128xi32, #tpu.memory_space<hbm>>
    tpu.enqueue_dma source(%dma_start3A_183 : memref<8x128xi32, #tpu.memory_space<hbm>>) target(%dma_start3A_182 : memref<8x128xi32, #tpu.memory_space<vmem>>) target_semaphore(%arg10 : memref<!tpu.dma_semaphore, #tpu.memory_space<semaphore_mem>>)
    %and3A_184 = arith.constant 127 : i32
    %and3A_185 = arith.andi %reduce_max3A_165, %and3A_184 : i32
    %gt3A_186 = arith.constant 120 : i32
    %gt3A_187 = arith.cmpi sgt, %and3A_185, %gt3A_186 : i32
    %add3A_188 = arith.constant 128 : i32
    %add3A_189 = arith.addi %multiple_of3A_171, %add3A_188 : i32
    %min3A_190 = arith.constant 16256 : i32
    %min3A_191 = arith.minsi %add3A_189, %min3A_190 : i32
    %multiple_of3A_192 = tpu.assume_multiple %min3A_191, 128 : i32
    %convert_element_type3A_193 = arith.extui %gt3A_187 : i1 to i32
    %cond3A_194 = arith.constant 0 : i32
    %cond3A_195 = arith.cmpi ne, %convert_element_type3A_193, %cond3A_194 : i32
    scf.if %cond3A_195 {
      %dma_start3A_376 = arith.constant 2 : i32
      %dma_start3A_377 = arith.constant 1 : i32
      %dma_start3A_378 = arith.constant 0 : i32
      %dma_start3A_379 = arith.constant 0 : i32
      %dma_start3A_380 = tpu.memref_slice %arg8[%dma_start3A_376, %dma_start3A_377, %dma_start3A_378, %dma_start3A_379] : memref<4x2x8x128xi32, #tpu.memory_space<vmem>> -> memref<1x1x8x128xi32, #tpu.memory_space<vmem>>
      %dma_start3A_381 = tpu.memref_squeeze %dma_start3A_380 : memref<1x1x8x128xi32, #tpu.memory_space<vmem>> -> memref<8x128xi32, #tpu.memory_space<vmem>>
      %dma_start3A_382 = tpu.memref_slice %arg4[%multiple_of3A_168, %multiple_of3A_192] : memref<2048x16384xi32, #tpu.memory_space<hbm>> -> memref<8x128xi32, #tpu.memory_space<hbm>>
      %dma_start3A_383 = arith.constant 0 : i32
      %dma_start3A_384 = arith.constant 0 : i32
      %dma_start3A_385 = tpu.memref_slice %arg8[%dma_start3A_376, %dma_start3A_377, %dma_start3A_383, %dma_start3A_384] : memref<4x2x8x128xi32, #tpu.memory_space<vmem>> -> memref<1x1x8x128xi32, #tpu.memory_space<vmem>>
      %dma_start3A_386 = tpu.memref_squeeze %dma_start3A_385 : memref<1x1x8x128xi32, #tpu.memory_space<vmem>> -> memref<8x128xi32, #tpu.memory_space<vmem>>
      %dma_start3A_387 = tpu.memref_slice %arg4[%multiple_of3A_168, %multiple_of3A_192] : memref<2048x16384xi32, #tpu.memory_space<hbm>> -> memref<8x128xi32, #tpu.memory_space<hbm>>
      tpu.enqueue_dma source(%dma_start3A_387 : memref<8x128xi32, #tpu.memory_space<hbm>>) target(%dma_start3A_386 : memref<8x128xi32, #tpu.memory_space<vmem>>) target_semaphore(%arg11 : memref<!tpu.dma_semaphore, #tpu.memory_space<semaphore_mem>>)
    } else {
    }
    %eq3A_196 = arith.constant 3 : i32
    %eq3A_197 = vector.broadcast %eq3A_196 : i32 to vector<16xi32>
    %eq3A_198 = arith.cmpi eq, %iota3A, %eq3A_197 : vector<16xi32>
    %jit3A_199 = arith.constant 0 : i64
    %convert_element_type3A_200 = arith.trunci %jit3A_199 : i64 to i32
    %broadcast_in_dim3A_201 = vector.broadcast %convert_element_type3A_200 : i32 to vector<16xi32>
    %select_n3A_202 = arith.select %eq3A_198, %gather3A, %broadcast_in_dim3A_201 : vector<16xi1>, vector<16xi32>
    %reduce_max3A_203 = arith.constant true
    %reduce_max3A_204 = vector.broadcast %reduce_max3A_203 : i1 to vector<16xi1>
    %reduce_max3A_205 = arith.constant -2147483648 : i32
    %reduce_max3A_206 = vector.broadcast %reduce_max3A_205 : i32 to vector<16xi32>
    %reduce_max3A_207 = arith.xori %select_n3A_202, %reduce_max3A_206 : vector<16xi32>
    %reduce_max3A_208 = tpu.scan <max>, %reduce_max3A_207 masked %reduce_max3A_204 : vector<16xi32>, vector<16xi1> -> vector<16xi32>
    %reduce_max3A_209 = arith.xori %reduce_max3A_208, %reduce_max3A_206 : vector<16xi32>
    %reduce_max3A_210 = vector.extract %reduce_max3A_209[15] : i32 from vector<16xi32>
    %eq3A_211 = arith.constant 3 : i32
    %eq3A_212 = vector.broadcast %eq3A_211 : i32 to vector<16xi32>
    %eq3A_213 = arith.cmpi eq, %iota3A, %eq3A_212 : vector<16xi32>
    %jit3A_214 = arith.constant 0 : i64
    %convert_element_type3A_215 = arith.trunci %jit3A_214 : i64 to i32
    %broadcast_in_dim3A_216 = vector.broadcast %convert_element_type3A_215 : i32 to vector<16xi32>
    %select_n3A_217 = arith.select %eq3A_213, %gather3A_23, %broadcast_in_dim3A_216 : vector<16xi1>, vector<16xi32>
    %reduce_max3A_218 = arith.constant true
    %reduce_max3A_219 = vector.broadcast %reduce_max3A_218 : i1 to vector<16xi1>
    %reduce_max3A_220 = arith.constant -2147483648 : i32
    %reduce_max3A_221 = vector.broadcast %reduce_max3A_220 : i32 to vector<16xi32>
    %reduce_max3A_222 = arith.xori %select_n3A_217, %reduce_max3A_221 : vector<16xi32>
    %reduce_max3A_223 = tpu.scan <max>, %reduce_max3A_222 masked %reduce_max3A_219 : vector<16xi32>, vector<16xi1> -> vector<16xi32>
    %reduce_max3A_224 = arith.xori %reduce_max3A_223, %reduce_max3A_221 : vector<16xi32>
    %reduce_max3A_225 = vector.extract %reduce_max3A_224[15] : i32 from vector<16xi32>
    %and3A_226 = arith.constant -8 : i32
    %and3A_227 = arith.andi %reduce_max3A_210, %and3A_226 : i32
    %multiple_of3A_228 = tpu.assume_multiple %and3A_227, 8 : i32
    %and3A_229 = arith.constant -128 : i32
    %and3A_230 = arith.andi %reduce_max3A_225, %and3A_229 : i32
    %multiple_of3A_231 = tpu.assume_multiple %and3A_230, 128 : i32
    %dma_start3A_232 = arith.constant 3 : i32
    %dma_start3A_233 = arith.constant 0 : i32
    %dma_start3A_234 = arith.constant 0 : i32
    %dma_start3A_235 = arith.constant 0 : i32
    %dma_start3A_236 = tpu.memref_slice %arg8[%dma_start3A_232, %dma_start3A_233, %dma_start3A_234, %dma_start3A_235] : memref<4x2x8x128xi32, #tpu.memory_space<vmem>> -> memref<1x1x8x128xi32, #tpu.memory_space<vmem>>
    %dma_start3A_237 = tpu.memref_squeeze %dma_start3A_236 : memref<1x1x8x128xi32, #tpu.memory_space<vmem>> -> memref<8x128xi32, #tpu.memory_space<vmem>>
    %dma_start3A_238 = tpu.memref_slice %arg4[%multiple_of3A_228, %multiple_of3A_231] : memref<2048x16384xi32, #tpu.memory_space<hbm>> -> memref<8x128xi32, #tpu.memory_space<hbm>>
    %dma_start3A_239 = arith.constant 0 : i32
    %dma_start3A_240 = arith.constant 0 : i32
    %dma_start3A_241 = tpu.memref_slice %arg8[%dma_start3A_232, %dma_start3A_233, %dma_start3A_239, %dma_start3A_240] : memref<4x2x8x128xi32, #tpu.memory_space<vmem>> -> memref<1x1x8x128xi32, #tpu.memory_space<vmem>>
    %dma_start3A_242 = tpu.memref_squeeze %dma_start3A_241 : memref<1x1x8x128xi32, #tpu.memory_space<vmem>> -> memref<8x128xi32, #tpu.memory_space<vmem>>
    %dma_start3A_243 = tpu.memref_slice %arg4[%multiple_of3A_228, %multiple_of3A_231] : memref<2048x16384xi32, #tpu.memory_space<hbm>> -> memref<8x128xi32, #tpu.memory_space<hbm>>
    tpu.enqueue_dma source(%dma_start3A_243 : memref<8x128xi32, #tpu.memory_space<hbm>>) target(%dma_start3A_242 : memref<8x128xi32, #tpu.memory_space<vmem>>) target_semaphore(%arg10 : memref<!tpu.dma_semaphore, #tpu.memory_space<semaphore_mem>>)
    %and3A_244 = arith.constant 127 : i32
    %and3A_245 = arith.andi %reduce_max3A_225, %and3A_244 : i32
    %gt3A_246 = arith.constant 120 : i32
    %gt3A_247 = arith.cmpi sgt, %and3A_245, %gt3A_246 : i32
    %add3A_248 = arith.constant 128 : i32
    %add3A_249 = arith.addi %multiple_of3A_231, %add3A_248 : i32
    %min3A_250 = arith.constant 16256 : i32
    %min3A_251 = arith.minsi %add3A_249, %min3A_250 : i32
    %multiple_of3A_252 = tpu.assume_multiple %min3A_251, 128 : i32
    %convert_element_type3A_253 = arith.extui %gt3A_247 : i1 to i32
    %cond3A_254 = arith.constant 0 : i32
    %cond3A_255 = arith.cmpi ne, %convert_element_type3A_253, %cond3A_254 : i32
    scf.if %cond3A_255 {
      %dma_start3A_376 = arith.constant 3 : i32
      %dma_start3A_377 = arith.constant 1 : i32
      %dma_start3A_378 = arith.constant 0 : i32
      %dma_start3A_379 = arith.constant 0 : i32
      %dma_start3A_380 = tpu.memref_slice %arg8[%dma_start3A_376, %dma_start3A_377, %dma_start3A_378, %dma_start3A_379] : memref<4x2x8x128xi32, #tpu.memory_space<vmem>> -> memref<1x1x8x128xi32, #tpu.memory_space<vmem>>
      %dma_start3A_381 = tpu.memref_squeeze %dma_start3A_380 : memref<1x1x8x128xi32, #tpu.memory_space<vmem>> -> memref<8x128xi32, #tpu.memory_space<vmem>>
      %dma_start3A_382 = tpu.memref_slice %arg4[%multiple_of3A_228, %multiple_of3A_252] : memref<2048x16384xi32, #tpu.memory_space<hbm>> -> memref<8x128xi32, #tpu.memory_space<hbm>>
      %dma_start3A_383 = arith.constant 0 : i32
      %dma_start3A_384 = arith.constant 0 : i32
      %dma_start3A_385 = tpu.memref_slice %arg8[%dma_start3A_376, %dma_start3A_377, %dma_start3A_383, %dma_start3A_384] : memref<4x2x8x128xi32, #tpu.memory_space<vmem>> -> memref<1x1x8x128xi32, #tpu.memory_space<vmem>>
      %dma_start3A_386 = tpu.memref_squeeze %dma_start3A_385 : memref<1x1x8x128xi32, #tpu.memory_space<vmem>> -> memref<8x128xi32, #tpu.memory_space<vmem>>
      %dma_start3A_387 = tpu.memref_slice %arg4[%multiple_of3A_228, %multiple_of3A_252] : memref<2048x16384xi32, #tpu.memory_space<hbm>> -> memref<8x128xi32, #tpu.memory_space<hbm>>
      tpu.enqueue_dma source(%dma_start3A_387 : memref<8x128xi32, #tpu.memory_space<hbm>>) target(%dma_start3A_386 : memref<8x128xi32, #tpu.memory_space<vmem>>) target_semaphore(%arg11 : memref<!tpu.dma_semaphore, #tpu.memory_space<semaphore_mem>>)
    } else {
    }
    %dma_wait3A_256 = arith.constant 0 : i32
    %dma_wait3A_257 = arith.constant 0 : i32
    %dma_wait3A_258 = arith.constant 0 : i32
    %dma_wait3A_259 = arith.constant 0 : i32
    %dma_wait3A_260 = tpu.memref_slice %arg8[%dma_wait3A_256, %dma_wait3A_257, %dma_wait3A_258, %dma_wait3A_259] : memref<4x2x8x128xi32, #tpu.memory_space<vmem>> -> memref<1x1x8x128xi32, #tpu.memory_space<vmem>>
    %dma_wait3A_261 = tpu.memref_squeeze %dma_wait3A_260 : memref<1x1x8x128xi32, #tpu.memory_space<vmem>> -> memref<8x128xi32, #tpu.memory_space<vmem>>
    %dma_wait3A_262 = tpu.memref_slice %arg4[%multiple_of3A_50, %multiple_of3A_53] : memref<2048x16384xi32, #tpu.memory_space<hbm>> -> memref<8x128xi32, #tpu.memory_space<hbm>>
    %dma_wait3A_263 = arith.constant 0 : i32
    %dma_wait3A_264 = arith.constant 0 : i32
    %dma_wait3A_265 = tpu.memref_slice %arg8[%dma_wait3A_256, %dma_wait3A_257, %dma_wait3A_263, %dma_wait3A_264] : memref<4x2x8x128xi32, #tpu.memory_space<vmem>> -> memref<1x1x8x128xi32, #tpu.memory_space<vmem>>
    %dma_wait3A_266 = tpu.memref_squeeze %dma_wait3A_265 : memref<1x1x8x128xi32, #tpu.memory_space<vmem>> -> memref<8x128xi32, #tpu.memory_space<vmem>>
    %dma_wait3A_267 = tpu.memref_slice %arg4[%multiple_of3A_50, %multiple_of3A_53] : memref<2048x16384xi32, #tpu.memory_space<hbm>> -> memref<8x128xi32, #tpu.memory_space<hbm>>
    tpu.wait_dma2 semaphore(%arg10 : memref<!tpu.dma_semaphore, #tpu.memory_space<semaphore_mem>>) src(%dma_wait3A_267 : memref<8x128xi32, #tpu.memory_space<hbm>>) dst(%dma_wait3A_266 : memref<8x128xi32, #tpu.memory_space<vmem>>)
    %convert_element_type3A_268 = arith.extui %gt3A_68 : i1 to i32
    %cond3A_269 = arith.constant 0 : i32
    %cond3A_270 = arith.cmpi ne, %convert_element_type3A_268, %cond3A_269 : i32
    scf.if %cond3A_270 {
      %dma_wait3A_376 = arith.constant 0 : i32
      %dma_wait3A_377 = arith.constant 1 : i32
      %dma_wait3A_378 = arith.constant 0 : i32
      %dma_wait3A_379 = arith.constant 0 : i32
      %dma_wait3A_380 = tpu.memref_slice %arg8[%dma_wait3A_376, %dma_wait3A_377, %dma_wait3A_378, %dma_wait3A_379] : memref<4x2x8x128xi32, #tpu.memory_space<vmem>> -> memref<1x1x8x128xi32, #tpu.memory_space<vmem>>
      %dma_wait3A_381 = tpu.memref_squeeze %dma_wait3A_380 : memref<1x1x8x128xi32, #tpu.memory_space<vmem>> -> memref<8x128xi32, #tpu.memory_space<vmem>>
      %dma_wait3A_382 = arith.constant 0 : i32
      %dma_wait3A_383 = arith.constant 0 : i32
      %dma_wait3A_384 = tpu.memref_slice %arg4[%dma_wait3A_382, %dma_wait3A_383] : memref<2048x16384xi32, #tpu.memory_space<hbm>> -> memref<8x128xi32, #tpu.memory_space<hbm>>
      %dma_wait3A_385 = arith.constant 0 : i32
      %dma_wait3A_386 = arith.constant 0 : i32
      %dma_wait3A_387 = tpu.memref_slice %arg8[%dma_wait3A_376, %dma_wait3A_377, %dma_wait3A_385, %dma_wait3A_386] : memref<4x2x8x128xi32, #tpu.memory_space<vmem>> -> memref<1x1x8x128xi32, #tpu.memory_space<vmem>>
      %dma_wait3A_388 = tpu.memref_squeeze %dma_wait3A_387 : memref<1x1x8x128xi32, #tpu.memory_space<vmem>> -> memref<8x128xi32, #tpu.memory_space<vmem>>
      %dma_wait3A_389 = arith.constant 0 : i32
      %dma_wait3A_390 = arith.constant 0 : i32
      %dma_wait3A_391 = tpu.memref_slice %arg4[%dma_wait3A_389, %dma_wait3A_390] : memref<2048x16384xi32, #tpu.memory_space<hbm>> -> memref<8x128xi32, #tpu.memory_space<hbm>>
      tpu.wait_dma2 semaphore(%arg11 : memref<!tpu.dma_semaphore, #tpu.memory_space<semaphore_mem>>) src(%dma_wait3A_391 : memref<8x128xi32, #tpu.memory_space<hbm>>) dst(%dma_wait3A_388 : memref<8x128xi32, #tpu.memory_space<vmem>>)
    } else {
    }
    %dma_wait3A_271 = arith.constant 1 : i32
    %dma_wait3A_272 = arith.constant 0 : i32
    %dma_wait3A_273 = arith.constant 0 : i32
    %dma_wait3A_274 = arith.constant 0 : i32
    %dma_wait3A_275 = tpu.memref_slice %arg8[%dma_wait3A_271, %dma_wait3A_272, %dma_wait3A_273, %dma_wait3A_274] : memref<4x2x8x128xi32, #tpu.memory_space<vmem>> -> memref<1x1x8x128xi32, #tpu.memory_space<vmem>>
    %dma_wait3A_276 = tpu.memref_squeeze %dma_wait3A_275 : memref<1x1x8x128xi32, #tpu.memory_space<vmem>> -> memref<8x128xi32, #tpu.memory_space<vmem>>
    %dma_wait3A_277 = tpu.memref_slice %arg4[%multiple_of3A_108, %multiple_of3A_111] : memref<2048x16384xi32, #tpu.memory_space<hbm>> -> memref<8x128xi32, #tpu.memory_space<hbm>>
    %dma_wait3A_278 = arith.constant 0 : i32
    %dma_wait3A_279 = arith.constant 0 : i32
    %dma_wait3A_280 = tpu.memref_slice %arg8[%dma_wait3A_271, %dma_wait3A_272, %dma_wait3A_278, %dma_wait3A_279] : memref<4x2x8x128xi32, #tpu.memory_space<vmem>> -> memref<1x1x8x128xi32, #tpu.memory_space<vmem>>
    %dma_wait3A_281 = tpu.memref_squeeze %dma_wait3A_280 : memref<1x1x8x128xi32, #tpu.memory_space<vmem>> -> memref<8x128xi32, #tpu.memory_space<vmem>>
    %dma_wait3A_282 = tpu.memref_slice %arg4[%multiple_of3A_108, %multiple_of3A_111] : memref<2048x16384xi32, #tpu.memory_space<hbm>> -> memref<8x128xi32, #tpu.memory_space<hbm>>
    tpu.wait_dma2 semaphore(%arg10 : memref<!tpu.dma_semaphore, #tpu.memory_space<semaphore_mem>>) src(%dma_wait3A_282 : memref<8x128xi32, #tpu.memory_space<hbm>>) dst(%dma_wait3A_281 : memref<8x128xi32, #tpu.memory_space<vmem>>)
    %convert_element_type3A_283 = arith.extui %gt3A_127 : i1 to i32
    %cond3A_284 = arith.constant 0 : i32
    %cond3A_285 = arith.cmpi ne, %convert_element_type3A_283, %cond3A_284 : i32
    scf.if %cond3A_285 {
      %dma_wait3A_376 = arith.constant 1 : i32
      %dma_wait3A_377 = arith.constant 1 : i32
      %dma_wait3A_378 = arith.constant 0 : i32
      %dma_wait3A_379 = arith.constant 0 : i32
      %dma_wait3A_380 = tpu.memref_slice %arg8[%dma_wait3A_376, %dma_wait3A_377, %dma_wait3A_378, %dma_wait3A_379] : memref<4x2x8x128xi32, #tpu.memory_space<vmem>> -> memref<1x1x8x128xi32, #tpu.memory_space<vmem>>
      %dma_wait3A_381 = tpu.memref_squeeze %dma_wait3A_380 : memref<1x1x8x128xi32, #tpu.memory_space<vmem>> -> memref<8x128xi32, #tpu.memory_space<vmem>>
      %dma_wait3A_382 = arith.constant 0 : i32
      %dma_wait3A_383 = arith.constant 0 : i32
      %dma_wait3A_384 = tpu.memref_slice %arg4[%dma_wait3A_382, %dma_wait3A_383] : memref<2048x16384xi32, #tpu.memory_space<hbm>> -> memref<8x128xi32, #tpu.memory_space<hbm>>
      %dma_wait3A_385 = arith.constant 0 : i32
      %dma_wait3A_386 = arith.constant 0 : i32
      %dma_wait3A_387 = tpu.memref_slice %arg8[%dma_wait3A_376, %dma_wait3A_377, %dma_wait3A_385, %dma_wait3A_386] : memref<4x2x8x128xi32, #tpu.memory_space<vmem>> -> memref<1x1x8x128xi32, #tpu.memory_space<vmem>>
      %dma_wait3A_388 = tpu.memref_squeeze %dma_wait3A_387 : memref<1x1x8x128xi32, #tpu.memory_space<vmem>> -> memref<8x128xi32, #tpu.memory_space<vmem>>
      %dma_wait3A_389 = arith.constant 0 : i32
      %dma_wait3A_390 = arith.constant 0 : i32
      %dma_wait3A_391 = tpu.memref_slice %arg4[%dma_wait3A_389, %dma_wait3A_390] : memref<2048x16384xi32, #tpu.memory_space<hbm>> -> memref<8x128xi32, #tpu.memory_space<hbm>>
      tpu.wait_dma2 semaphore(%arg11 : memref<!tpu.dma_semaphore, #tpu.memory_space<semaphore_mem>>) src(%dma_wait3A_391 : memref<8x128xi32, #tpu.memory_space<hbm>>) dst(%dma_wait3A_388 : memref<8x128xi32, #tpu.memory_space<vmem>>)
    } else {
    }
    %dma_wait3A_286 = arith.constant 2 : i32
    %dma_wait3A_287 = arith.constant 0 : i32
    %dma_wait3A_288 = arith.constant 0 : i32
    %dma_wait3A_289 = arith.constant 0 : i32
    %dma_wait3A_290 = tpu.memref_slice %arg8[%dma_wait3A_286, %dma_wait3A_287, %dma_wait3A_288, %dma_wait3A_289] : memref<4x2x8x128xi32, #tpu.memory_space<vmem>> -> memref<1x1x8x128xi32, #tpu.memory_space<vmem>>
    %dma_wait3A_291 = tpu.memref_squeeze %dma_wait3A_290 : memref<1x1x8x128xi32, #tpu.memory_space<vmem>> -> memref<8x128xi32, #tpu.memory_space<vmem>>
    %dma_wait3A_292 = tpu.memref_slice %arg4[%multiple_of3A_168, %multiple_of3A_171] : memref<2048x16384xi32, #tpu.memory_space<hbm>> -> memref<8x128xi32, #tpu.memory_space<hbm>>
    %dma_wait3A_293 = arith.constant 0 : i32
    %dma_wait3A_294 = arith.constant 0 : i32
    %dma_wait3A_295 = tpu.memref_slice %arg8[%dma_wait3A_286, %dma_wait3A_287, %dma_wait3A_293, %dma_wait3A_294] : memref<4x2x8x128xi32, #tpu.memory_space<vmem>> -> memref<1x1x8x128xi32, #tpu.memory_space<vmem>>
    %dma_wait3A_296 = tpu.memref_squeeze %dma_wait3A_295 : memref<1x1x8x128xi32, #tpu.memory_space<vmem>> -> memref<8x128xi32, #tpu.memory_space<vmem>>
    %dma_wait3A_297 = tpu.memref_slice %arg4[%multiple_of3A_168, %multiple_of3A_171] : memref<2048x16384xi32, #tpu.memory_space<hbm>> -> memref<8x128xi32, #tpu.memory_space<hbm>>
    tpu.wait_dma2 semaphore(%arg10 : memref<!tpu.dma_semaphore, #tpu.memory_space<semaphore_mem>>) src(%dma_wait3A_297 : memref<8x128xi32, #tpu.memory_space<hbm>>) dst(%dma_wait3A_296 : memref<8x128xi32, #tpu.memory_space<vmem>>)
    %convert_element_type3A_298 = arith.extui %gt3A_187 : i1 to i32
    %cond3A_299 = arith.constant 0 : i32
    %cond3A_300 = arith.cmpi ne, %convert_element_type3A_298, %cond3A_299 : i32
    scf.if %cond3A_300 {
      %dma_wait3A_376 = arith.constant 2 : i32
      %dma_wait3A_377 = arith.constant 1 : i32
      %dma_wait3A_378 = arith.constant 0 : i32
      %dma_wait3A_379 = arith.constant 0 : i32
      %dma_wait3A_380 = tpu.memref_slice %arg8[%dma_wait3A_376, %dma_wait3A_377, %dma_wait3A_378, %dma_wait3A_379] : memref<4x2x8x128xi32, #tpu.memory_space<vmem>> -> memref<1x1x8x128xi32, #tpu.memory_space<vmem>>
      %dma_wait3A_381 = tpu.memref_squeeze %dma_wait3A_380 : memref<1x1x8x128xi32, #tpu.memory_space<vmem>> -> memref<8x128xi32, #tpu.memory_space<vmem>>
      %dma_wait3A_382 = arith.constant 0 : i32
      %dma_wait3A_383 = arith.constant 0 : i32
      %dma_wait3A_384 = tpu.memref_slice %arg4[%dma_wait3A_382, %dma_wait3A_383] : memref<2048x16384xi32, #tpu.memory_space<hbm>> -> memref<8x128xi32, #tpu.memory_space<hbm>>
      %dma_wait3A_385 = arith.constant 0 : i32
      %dma_wait3A_386 = arith.constant 0 : i32
      %dma_wait3A_387 = tpu.memref_slice %arg8[%dma_wait3A_376, %dma_wait3A_377, %dma_wait3A_385, %dma_wait3A_386] : memref<4x2x8x128xi32, #tpu.memory_space<vmem>> -> memref<1x1x8x128xi32, #tpu.memory_space<vmem>>
      %dma_wait3A_388 = tpu.memref_squeeze %dma_wait3A_387 : memref<1x1x8x128xi32, #tpu.memory_space<vmem>> -> memref<8x128xi32, #tpu.memory_space<vmem>>
      %dma_wait3A_389 = arith.constant 0 : i32
      %dma_wait3A_390 = arith.constant 0 : i32
      %dma_wait3A_391 = tpu.memref_slice %arg4[%dma_wait3A_389, %dma_wait3A_390] : memref<2048x16384xi32, #tpu.memory_space<hbm>> -> memref<8x128xi32, #tpu.memory_space<hbm>>
      tpu.wait_dma2 semaphore(%arg11 : memref<!tpu.dma_semaphore, #tpu.memory_space<semaphore_mem>>) src(%dma_wait3A_391 : memref<8x128xi32, #tpu.memory_space<hbm>>) dst(%dma_wait3A_388 : memref<8x128xi32, #tpu.memory_space<vmem>>)
    } else {
    }
    %dma_wait3A_301 = arith.constant 3 : i32
    %dma_wait3A_302 = arith.constant 0 : i32
    %dma_wait3A_303 = arith.constant 0 : i32
    %dma_wait3A_304 = arith.constant 0 : i32
    %dma_wait3A_305 = tpu.memref_slice %arg8[%dma_wait3A_301, %dma_wait3A_302, %dma_wait3A_303, %dma_wait3A_304] : memref<4x2x8x128xi32, #tpu.memory_space<vmem>> -> memref<1x1x8x128xi32, #tpu.memory_space<vmem>>
    %dma_wait3A_306 = tpu.memref_squeeze %dma_wait3A_305 : memref<1x1x8x128xi32, #tpu.memory_space<vmem>> -> memref<8x128xi32, #tpu.memory_space<vmem>>
    %dma_wait3A_307 = tpu.memref_slice %arg4[%multiple_of3A_228, %multiple_of3A_231] : memref<2048x16384xi32, #tpu.memory_space<hbm>> -> memref<8x128xi32, #tpu.memory_space<hbm>>
    %dma_wait3A_308 = arith.constant 0 : i32
    %dma_wait3A_309 = arith.constant 0 : i32
    %dma_wait3A_310 = tpu.memref_slice %arg8[%dma_wait3A_301, %dma_wait3A_302, %dma_wait3A_308, %dma_wait3A_309] : memref<4x2x8x128xi32, #tpu.memory_space<vmem>> -> memref<1x1x8x128xi32, #tpu.memory_space<vmem>>
    %dma_wait3A_311 = tpu.memref_squeeze %dma_wait3A_310 : memref<1x1x8x128xi32, #tpu.memory_space<vmem>> -> memref<8x128xi32, #tpu.memory_space<vmem>>
    %dma_wait3A_312 = tpu.memref_slice %arg4[%multiple_of3A_228, %multiple_of3A_231] : memref<2048x16384xi32, #tpu.memory_space<hbm>> -> memref<8x128xi32, #tpu.memory_space<hbm>>
    tpu.wait_dma2 semaphore(%arg10 : memref<!tpu.dma_semaphore, #tpu.memory_space<semaphore_mem>>) src(%dma_wait3A_312 : memref<8x128xi32, #tpu.memory_space<hbm>>) dst(%dma_wait3A_311 : memref<8x128xi32, #tpu.memory_space<vmem>>)
    %convert_element_type3A_313 = arith.extui %gt3A_247 : i1 to i32
    %cond3A_314 = arith.constant 0 : i32
    %cond3A_315 = arith.cmpi ne, %convert_element_type3A_313, %cond3A_314 : i32
    scf.if %cond3A_315 {
      %dma_wait3A_376 = arith.constant 3 : i32
      %dma_wait3A_377 = arith.constant 1 : i32
      %dma_wait3A_378 = arith.constant 0 : i32
      %dma_wait3A_379 = arith.constant 0 : i32
      %dma_wait3A_380 = tpu.memref_slice %arg8[%dma_wait3A_376, %dma_wait3A_377, %dma_wait3A_378, %dma_wait3A_379] : memref<4x2x8x128xi32, #tpu.memory_space<vmem>> -> memref<1x1x8x128xi32, #tpu.memory_space<vmem>>
      %dma_wait3A_381 = tpu.memref_squeeze %dma_wait3A_380 : memref<1x1x8x128xi32, #tpu.memory_space<vmem>> -> memref<8x128xi32, #tpu.memory_space<vmem>>
      %dma_wait3A_382 = arith.constant 0 : i32
      %dma_wait3A_383 = arith.constant 0 : i32
      %dma_wait3A_384 = tpu.memref_slice %arg4[%dma_wait3A_382, %dma_wait3A_383] : memref<2048x16384xi32, #tpu.memory_space<hbm>> -> memref<8x128xi32, #tpu.memory_space<hbm>>
      %dma_wait3A_385 = arith.constant 0 : i32
      %dma_wait3A_386 = arith.constant 0 : i32
      %dma_wait3A_387 = tpu.memref_slice %arg8[%dma_wait3A_376, %dma_wait3A_377, %dma_wait3A_385, %dma_wait3A_386] : memref<4x2x8x128xi32, #tpu.memory_space<vmem>> -> memref<1x1x8x128xi32, #tpu.memory_space<vmem>>
      %dma_wait3A_388 = tpu.memref_squeeze %dma_wait3A_387 : memref<1x1x8x128xi32, #tpu.memory_space<vmem>> -> memref<8x128xi32, #tpu.memory_space<vmem>>
      %dma_wait3A_389 = arith.constant 0 : i32
      %dma_wait3A_390 = arith.constant 0 : i32
      %dma_wait3A_391 = tpu.memref_slice %arg4[%dma_wait3A_389, %dma_wait3A_390] : memref<2048x16384xi32, #tpu.memory_space<hbm>> -> memref<8x128xi32, #tpu.memory_space<hbm>>
      tpu.wait_dma2 semaphore(%arg11 : memref<!tpu.dma_semaphore, #tpu.memory_space<semaphore_mem>>) src(%dma_wait3A_391 : memref<8x128xi32, #tpu.memory_space<hbm>>) dst(%dma_wait3A_388 : memref<8x128xi32, #tpu.memory_space<vmem>>)
    } else {
    }
    %add3A_316 = arith.constant 0 : i32
    %add3A_317 = vector.broadcast %add3A_316 : i32 to vector<16xi32>
    %add3A_318 = arith.addi %add3A_317, %iota3A : vector<16xi32>
    %shift_right_arithmetic3A = arith.constant 3 : i32
    %shift_right_arithmetic3A_319 = vector.broadcast %shift_right_arithmetic3A : i32 to vector<16xi32>
    %shift_right_arithmetic3A_320 = arith.shrsi %add3A_318, %shift_right_arithmetic3A_319 : vector<16xi32>
    %and3A_321 = arith.constant 7 : i32
    %and3A_322 = vector.broadcast %and3A_321 : i32 to vector<16xi32>
    %and3A_323 = arith.andi %add3A_318, %and3A_322 : vector<16xi32>
    %add3A_324 = vector.broadcast %sub3A : i32 to vector<16xi32>
    %add3A_325 = arith.addi %add3A_324, %shift_right_arithmetic3A_320 : vector<16xi32>
    %gather3A_326 = tpu.vector_load_idx %arg6[%add3A_325] : memref<16xi32, #tpu.memory_space<vmem>>[vector<16xi32>], vector<16xi32>,
    %add3A_327 = vector.broadcast %sub3A : i32 to vector<16xi32>
    %add3A_328 = arith.addi %add3A_327, %shift_right_arithmetic3A_320 : vector<16xi32>
    %gather3A_329 = tpu.vector_load_idx %arg7[%add3A_328] : memref<16xi32, #tpu.memory_space<vmem>>[vector<16xi32>], vector<16xi32>,
    %and3A_330 = arith.constant 127 : i32
    %and3A_331 = vector.broadcast %and3A_330 : i32 to vector<16xi32>
    %and3A_332 = arith.andi %gather3A_329, %and3A_331 : vector<16xi32>
    %add3A_333 = arith.addi %and3A_332, %and3A_323 : vector<16xi32>
    %shift_right_arithmetic3A_334 = arith.constant 7 : i32
    %shift_right_arithmetic3A_335 = vector.broadcast %shift_right_arithmetic3A_334 : i32 to vector<16xi32>
    %shift_right_arithmetic3A_336 = arith.shrsi %add3A_333, %shift_right_arithmetic3A_335 : vector<16xi32>
    %and3A_337 = arith.constant 7 : i32
    %and3A_338 = vector.broadcast %and3A_337 : i32 to vector<16xi32>
    %and3A_339 = arith.andi %gather3A_326, %and3A_338 : vector<16xi32>
    %and3A_340 = arith.constant 127 : i32
    %and3A_341 = vector.broadcast %and3A_340 : i32 to vector<16xi32>
    %and3A_342 = arith.andi %add3A_333, %and3A_341 : vector<16xi32>
    %gather3A_343 = tpu.vector_load_idx %arg8[%shift_right_arithmetic3A_320, %shift_right_arithmetic3A_336, %and3A_339, %and3A_342] : memref<4x2x8x128xi32, #tpu.memory_space<vmem>>[vector<16xi32>, vector<16xi32>, vector<16xi32>, vector<16xi32>], vector<16xi32>,
    %swap3A = arith.constant 0 : index
    %swap3A_344 = tpu.vector_load %arg9[%swap3A] {strides = array<i32>} : memref<32xi32, #tpu.memory_space<vmem>>, vector<16xi32>,
    tpu.vector_store %arg9[%swap3A], %gather3A_343 {strides = array<i32>} : memref<32xi32, #tpu.memory_space<vmem>>, vector<16xi32>,
    %add3A_345 = arith.constant 16 : i32
    %add3A_346 = vector.broadcast %add3A_345 : i32 to vector<16xi32>
    %add3A_347 = arith.addi %add3A_346, %iota3A : vector<16xi32>
    %shift_right_arithmetic3A_348 = arith.constant 3 : i32
    %shift_right_arithmetic3A_349 = vector.broadcast %shift_right_arithmetic3A_348 : i32 to vector<16xi32>
    %shift_right_arithmetic3A_350 = arith.shrsi %add3A_347, %shift_right_arithmetic3A_349 : vector<16xi32>
    %and3A_351 = arith.constant 7 : i32
    %and3A_352 = vector.broadcast %and3A_351 : i32 to vector<16xi32>
    %and3A_353 = arith.andi %add3A_347, %and3A_352 : vector<16xi32>
    %add3A_354 = vector.broadcast %sub3A : i32 to vector<16xi32>
    %add3A_355 = arith.addi %add3A_354, %shift_right_arithmetic3A_350 : vector<16xi32>
    %gather3A_356 = tpu.vector_load_idx %arg6[%add3A_355] : memref<16xi32, #tpu.memory_space<vmem>>[vector<16xi32>], vector<16xi32>,
    %add3A_357 = vector.broadcast %sub3A : i32 to vector<16xi32>
    %add3A_358 = arith.addi %add3A_357, %shift_right_arithmetic3A_350 : vector<16xi32>
    %gather3A_359 = tpu.vector_load_idx %arg7[%add3A_358] : memref<16xi32, #tpu.memory_space<vmem>>[vector<16xi32>], vector<16xi32>,
    %and3A_360 = arith.constant 127 : i32
    %and3A_361 = vector.broadcast %and3A_360 : i32 to vector<16xi32>
    %and3A_362 = arith.andi %gather3A_359, %and3A_361 : vector<16xi32>
    %add3A_363 = arith.addi %and3A_362, %and3A_353 : vector<16xi32>
    %shift_right_arithmetic3A_364 = arith.constant 7 : i32
    %shift_right_arithmetic3A_365 = vector.broadcast %shift_right_arithmetic3A_364 : i32 to vector<16xi32>
    %shift_right_arithmetic3A_366 = arith.shrsi %add3A_363, %shift_right_arithmetic3A_365 : vector<16xi32>
    %and3A_367 = arith.constant 7 : i32
    %and3A_368 = vector.broadcast %and3A_367 : i32 to vector<16xi32>
    %and3A_369 = arith.andi %gather3A_356, %and3A_368 : vector<16xi32>
    %and3A_370 = arith.constant 127 : i32
    %and3A_371 = vector.broadcast %and3A_370 : i32 to vector<16xi32>
    %and3A_372 = arith.andi %add3A_363, %and3A_371 : vector<16xi32>
    %gather3A_373 = tpu.vector_load_idx %arg8[%shift_right_arithmetic3A_350, %shift_right_arithmetic3A_366, %and3A_369, %and3A_372] : memref<4x2x8x128xi32, #tpu.memory_space<vmem>>[vector<16xi32>, vector<16xi32>, vector<16xi32>, vector<16xi32>], vector<16xi32>,
    %swap3A_374 = arith.constant 16 : index
    %swap3A_375 = tpu.vector_load %arg9[%swap3A_374] {strides = array<i32>} : memref<32xi32, #tpu.memory_space<vmem>>, vector<16xi32>,
    tpu.vector_store %arg9[%swap3A_374], %gather3A_373 {strides = array<i32>} : memref<32xi32, #tpu.memory_space<vmem>>, vector<16xi32>,
    "tpu.region"() ({
      %run_scoped3A = tpu.sem_alloc : memref<!tpu.dma_semaphore, #tpu.memory_space<semaphore_mem>>
      %dma_start3A_376 = tpu.memref_slice %arg5[%mul3A_4] : memref<1024xi32, #tpu.memory_space<hbm>> -> memref<32xi32, #tpu.memory_space<hbm>>
      %dma_start3A_377 = tpu.memref_slice %arg5[%mul3A_4] : memref<1024xi32, #tpu.memory_space<hbm>> -> memref<32xi32, #tpu.memory_space<hbm>>
      tpu.enqueue_dma source(%arg9 : memref<32xi32, #tpu.memory_space<vmem>>) target(%dma_start3A_377 : memref<32xi32, #tpu.memory_space<hbm>>) target_semaphore(%run_scoped3A : memref<!tpu.dma_semaphore, #tpu.memory_space<semaphore_mem>>)
      %dma_wait3A_378 = tpu.memref_slice %arg5[%mul3A_4] : memref<1024xi32, #tpu.memory_space<hbm>> -> memref<32xi32, #tpu.memory_space<hbm>>
      %dma_wait3A_379 = tpu.memref_slice %arg5[%mul3A_4] : memref<1024xi32, #tpu.memory_space<hbm>> -> memref<32xi32, #tpu.memory_space<hbm>>
      tpu.wait_dma2 semaphore(%run_scoped3A : memref<!tpu.dma_semaphore, #tpu.memory_space<semaphore_mem>>) src(%arg9 : memref<32xi32, #tpu.memory_space<vmem>>) dst(%dma_wait3A_379 : memref<32xi32, #tpu.memory_space<hbm>>)
      tpu.yield
    }) : () -> ()
    return
  }
}

</mosaic_0001>

<sc_bundles>
// kernel: kernel.3.cloned.1.call-start
scs
__scs_entry_jumppad:
0x0: {  	(pc) =	sbr.rel $0x88, $3  }
0x1: {  	(tag) =	ssettag $0x0;
	lr =	simm.s32 $0x1  }
0x2: {  	[smem:$0x3F9E] =	sst lr;
	_ =	strace $0xD0000000  }
0x3: {  	_ = 	snop  }
0x4: {  	_ = 	snop  }
0x5: {  	_ = 	snop  }
0x6: {  	_ = 	snop  }
0x7: {  	_ = 	snop  }
__scs_overlays_trampoline_lowered:
0x8: {  	[smem:$0x3FAD] =	sst s0  }
0x9: {  	[smem:$0x3FAE] =	sst s1  }
0xa: {  	[smem:$0x3FAF] =	sst s2  }
0xb: {  	[smem:$0x3FB0] =	sst s3  }
0xc: {  	[smem:$0x3FB1] =	sst s4  }
0xd: {  	[smem:$0x3FB2] =	sst s5  }
0xe: {  	[smem:$0x3FB3] =	sst s6  }
0xf: {  	[smem:$0x3FB4] =	sst s7  }
0x10: {  	[smem:$0x3FB5] =	sst s8  }
0x11: {  	[smem:$0x3FB6] =	sst s9;
	s0 =	simm.s32 @!p0 $0x0  }
0x12: {  	s1 =	sld [smem:$0x3F9C];
	s0 =	simm.s32 @p0 $0x1  }
0x13: {  	[smem:$0x3FB7] =	sst s0;
	s0 =	simm.s32 @!p1 $0x0  }
0x14: {  	s2 =	sld [smem:$0x3F9B];
	s0 =	simm.s32 @p1 $0x1  }
0x15: {  	[smem:$0x3FB8] =	sst s0;
	s0 =	simm.s32 @!p2 $0x0  }
0x16: {  	s3 =	sld [smem:$0x3FDB];
	s0 =	simm.s32 @p2 $0x1  }
0x17: {  	s4 =	simm.s32 $0x1BF5;
	[smem:$0x3FBA] =	sst s0  }
0x18: {  	s0 =	sld [smem:$0x3F9D];
	_ =	swait.ge [sflag:s4], $0x0  }
0x19: {  	s7 =	sld [smem:$0x3F9E]  }
0x1a: {  	s8 =	sadd.s32 $0xFFFFE003, lr  }
0x1b: {  	s9 =	sadd.s32 $0xFFFFFEF7, lr;
	s5 =	simm.s32 $0xFFFFFFFF;
	p2 =	slt.u32 s8, $0xFFFFF086  }
0x1c: {  	p1 =	slt.u32 s9, $0xF7A;
	s5 =	simm.s32 @!p2 $0x0  }
0x1d: {  	s5 =	simm.s32 @p1 $0x1;
	p0 =	seq.s32 s7, s2  }
0x1e: {  	s7 =	smul.u32 @!p0 $0xF7A, s2;
	p2 =	seq.s32 @!p0 s5, $0x0  }
0x1f: {  	s9 =	smul.u32 $0xF7A, s1;
	s8 =	simm.s32 @!p0 $0x1BF5;
	p2 =	por !p2, p0  }
0x20: {  	[sflag:s8] =	ssyncset.s32 @!p0 $0xFFFFF086;
	s6 =	sadd.s32 @!p0 s3, s7;
	s7 =	simm.s32 @!p0 $0x108  }
0x21: {  	s3 =	sadd.s32 s3, s9;
	s6 =	sadd.s32 @!p0 $0x88, s6;
	s7 =	simm.s32 @p2 $0x1082  }
0x22: {  	[simem:s7], [sflag:s8] =	dma.local @!p0 [hbm:s6], $0xF7A  }
0x23: {  	s9 =	sor.u32 $0xD0000000, s2;
	s6 =	simm.s32 $0x108;
	_ =	swait.ge @!p0 [sflag:s8], $0x0  }
0x24: {  	s3 =	sadd.s32 $0x88, s3;
	s6 =	simm.s32 @!p1 $0x1082;
	[sflag:s4] =	ssyncset.s32 $0xFFFFF086  }
0x25: {  	[simem:s6], [sflag:s4] =	dma.local [hbm:s3], $0xF7A  }
0x26: {  	[smem:$0x3F9E] =	sst s1;
	(tag) =	ssettag s2;
	_ =	strace s9  }
0x27: {  	s1 =	sld [smem:$0x3FAE]  }
0x28: {  	s2 =	sld [smem:$0x3FAF]  }
0x29: {  	s4 =	sld [smem:$0x3FB1]  }
0x2a: {  	p0 =	seq.s32 s5, $0x0;
	s5 =	sld [smem:$0x3FB2]  }
0x2b: {  	s6 =	sld [smem:$0x3FB3]  }
0x2c: {  	s7 =	sld [smem:$0x3FB4]  }
0x2d: {  	s3 =	simm.s32 $0x108;
	s8 =	sld [smem:$0x3FB5]  }
0x2e: {  	s3 =	simm.s32 @!p0 $0x1082;
	s9 =	sld [smem:$0x3FB6]  }
0x2f: {  	lr =	sadd.s32 s0, s3;
	s0 =	sld [smem:$0x3FAD]  }
0x30: {  	s3 =	sld [smem:$0x3FB0]  }
0x31: {  	[smem:$0x3FB9] =	sst s10  }
0x32: {  	s10 =	sld [smem:$0x3FB7];
	_ =	sdelay $0x3  }
0x33: {  	p0 =	seq.s32 s10, $0x1;
	s10 =	sld [smem:$0x3FB9];
	_ =	sdelay $0x3  }
0x34: {  	[smem:$0x3FB9] =	sst s10  }
0x35: {  	s10 =	sld [smem:$0x3FB8];
	_ =	sdelay $0x3  }
0x36: {  	p1 =	seq.s32 s10, $0x1;
	s10 =	sld [smem:$0x3FB9];
	_ =	sdelay $0x3  }
0x37: {  	[smem:$0x3FB9] =	sst s10  }
0x38: {  	s10 =	sld [smem:$0x3FBA]  }
0x39: {  	_ = 	snop;
	(pc) =	sbr.ind lr, $3  }
0x3a: {  	_ = 	snop  }
0x3b: {  	_ = 	snop  }
0x3c: {  	p2 =	seq.s32 s10, $0x1;
	s10 =	sld [smem:$0x3FB9]  }
0x3d: {  	_ =	shalt  }
0x3e: {  	_ =	shalt  }
0x3f: {  	_ =	shalt  }
0x40: {  	_ =	shalt  }
0x41: {  	_ =	shalt  }
0x42: {  	_ =	shalt  }
0x43: {  	_ =	shalt  }
0x44: {  	_ =	shalt  }
0x45: {  	_ =	shalt  }
0x46: {  	_ =	shalt  }
0x47: {  	_ =	shalt  }
0x48: {  	_ =	shalt  }
0x49: {  	_ =	shalt  }
0x4a: {  	_ =	shalt  }
0x4b: {  	_ =	shalt  }
0x4c: {  	_ =	shalt  }
0x4d: {  	_ =	shalt  }
0x4e: {  	_ =	shalt  }
0x4f: {  	_ =	shalt  }
0x50: {  	_ =	shalt  }
0x51: {  	_ =	shalt  }
0x52: {  	_ =	shalt  }
0x53: {  	_ =	shalt  }
0x54: {  	_ =	shalt  }
0x55: {  	_ =	shalt  }
0x56: {  	_ =	shalt  }
0x57: {  	_ =	shalt  }
0x58: {  	_ =	shalt  }
0x59: {  	_ =	shalt  }
0x5a: {  	_ =	shalt  }
0x5b: {  	_ =	shalt  }
0x5c: {  	_ =	shalt  }
0x5d: {  	_ =	shalt  }
0x5e: {  	_ =	shalt  }
0x5f: {  	_ =	shalt  }
0x60: {  	_ =	shalt  }
0x61: {  	_ =	shalt  }
0x62: {  	_ =	shalt  }
0x63: {  	_ =	shalt  }
0x64: {  	_ =	shalt  }
0x65: {  	_ =	shalt  }
0x66: {  	_ =	shalt  }
0x67: {  	_ =	shalt  }
0x68: {  	_ =	shalt  }
0x69: {  	_ =	shalt  }
0x6a: {  	_ =	shalt  }
0x6b: {  	_ =	shalt  }
0x6c: {  	_ =	shalt  }
0x6d: {  	_ =	shalt  }
0x6e: {  	_ =	shalt  }
0x6f: {  	_ =	shalt  }
0x70: {  	_ =	shalt  }
0x71: {  	_ =	shalt  }
0x72: {  	_ =	shalt  }
0x73: {  	_ =	shalt  }
0x74: {  	_ =	shalt  }
0x75: {  	_ =	shalt  }
0x76: {  	_ =	shalt  }
0x77: {  	_ =	shalt  }
0x78: {  	_ =	shalt  }
0x79: {  	_ =	shalt  }
0x7a: {  	_ =	shalt  }
0x7b: {  	_ =	shalt  }
0x7c: {  	_ =	shalt  }
0x7d: {  	_ =	shalt  }
0x7e: {  	_ =	shalt  }
0x7f: {  	_ =	shalt  }
0x80: {  	_ =	shalt  }
0x81: {  	_ =	shalt  }
0x82: {  	_ =	shalt  }
0x83: {  	_ =	shalt  }
0x84: {  	_ =	shalt  }
0x85: {  	_ =	shalt  }
0x86: {  	_ =	shalt  }
0x87: {  	_ =	shalt  }
.Lfunc_end0:
.L_simem_size_0:
called_computation_lowered:
.L_overlay_start_0:
0x88: {  	s2 =	sld [smem:$0x3FD9]  }
0x89: {  	s3 =	sld [smem:$0x3FFE];
	_ =	sdelay $0x1  }
0x8a: {  	s1 =	srdreg.scid  }
0x8b: {  	s0 =	sand.u32 $0x1, s1  }
0x8c: {  	s17 =	sshll.u32 s0, $0xA;
	s2 =	sadd.s32 s3, s2  }
0x8d: {  	s2 =	sadd.s32 s2, s17  }
0x8e: {  	[smem:$0x3FC5] =	sst s2  }
0x8f: {  	_ = 	snop  }
0x90: {  	s2 =	sld [smem:$0x3FC8]  }
0x91: {  	s18 =	sld [smem:$0x3FD0];
	(tm) =	ssettm $0x1  }
0x92: {  	s4 =	sld [smem:$0x3FFB];
	_ =	sdelay $0x3  }
0x93: {  	_ =	strace s4  }
0x94: {  	s4 =	sld [smem:$0x3FFC];
	_ =	sdelay $0x3  }
0x95: {  	_ =	strace s4  }
0x96: {  	s4 =	sld [smem:$0x3FFD];
	_ =	sdelay $0x3  }
0x97: {  	_ =	strace s4  }
0x98: {  	_ =	strace $0x8FFFFFFF  }
0x99: {  	s19 =	sld [smem:$0x3FDB];
	_ =	sdelay $0x1  }
0x9a: {  	s5 =	simm.s32 $_scs_section_size  }
0x9b: {  	s6 =	simm.s32 $_size__tile_overlayer_lowered;
	s7 =	simm.s32 $_tile_overlayer_lowered  }
0x9c: {  	s22 =	simm.s32 $0x1BFF;
	s21 =	sshll.u32 s7, $0x1;
	s4 =	sadd.s32 s5, s19  }
0x9d: {  	s8 =	simm.s32 $0x0;
	s20 =	sshll.u32 s6, $0x1;
	s6 =	sadd.s32 s21, s4  }
0x9e: {  	[timem:s8], [sflag:s22] =	dma.local [hbm:s6], s20  }
0x9f: {  	_ =	swait.ge [sflag:s22], s20  }
0xa0: {  	s5 =	ssub.s32 $0x0, s20;
	[sflag:s22] =	ssyncset.done $0x0  }
0xa1: {  	[sflag:s22] =	ssyncadd.s32 s5;
	_ =	sdelay $0x1  }
0xa2: {  	s23 =	simm.s32 $0x1B8B  }
0xa3: {  	_ =	swait.ge [sflag:s23], $0x1  }
0xa4: {  	[sflag:s23] =	ssyncset.done $0x0  }
0xa5: {  	s25 =	simm.s32 $0x1B8E;
	s24 =	sld [smem:$0x3FFE];
	[sflag:s23] =	ssyncadd.s32 $0xFFFFFFFF  }
0xa6: {  	s26 =	simm.s32 $execute0_lowered;
	[smem:$0x3FD2] =	sst s25  }
0xa7: {  	s6 =	sshll.u32 s26, $0x1;
	_ =	strace $0x80000046;
	[dreg:$0x1] =	wrdreg $0xFFFFFFFF  }
0xa8: {  	s28 =	simm.s32 $_size_execute0_lowered;
	s4 =	sadd.s32 s4, s6;
	[dreg:$0x0] =	wrdreg $0x0  }
0xa9: {  	s6 =	sshll.u32 s28, $0x1;
	[dreg:$0x2] =	wrdreg s4  }
0xaa: {  	[dreg:$0x3] =	wrdreg s6  }
0xab: {  	[dreg:$0x4] =	wrdreg $0xC0  }
0xac: {  	_ =	task [dreg:s8], $0x5FFFF  }
0xad: {  	[dreg:$0x1] =	wrdreg $0xFFFFFFFF  }
0xae: {  	[dreg:$0x0] =	wrdreg $0x60  }
0xaf: {  	[dreg:$0x2] =	wrdreg s24  }
0xb0: {  	[dreg:$0x3] =	wrdreg s2  }
0xb1: {  	[dreg:$0x4] =	wrdreg s18  }
0xb2: {  	[dreg:$0x5] =	wrdreg $0x9  }
0xb3: {  	_ =	task.clear_ibuf [dreg:s8], $0x6FFFF;
	_ =	strace $0x90000046  }
0xb4: {  	s29 =	simm.s32 $0x9;
	_ =	strace $0x80000048  }
0xb5: {  	_ =	swait.ge [sflag:s29], $0x1  }
0xb6: {  	[sflag:s29] =	ssyncadd.s32 $0xFFFFFFFF  }
0xb7: {  	_ =	strace $0x90000048  }
0xb8: {  	_ =	sfence  }
0xb9: {  	s30 =	sld [smem:$0x0];
	_ =	sdelay $0x2  }
0xba: {  	s31 =	sshll.u32 s1, $0xD;
	s1 =	sshrl.u32 s1, $0x2  }
0xbb: {  	s3 =	sand.u32 $0x4000, s31;
	s1 =	sadd.s32 s1, s30  }
0xbc: {  	s0 =	sor.u32 s3, s0;
	s1 =	sshll.u32 s1, $0x11  }
0xbd: {  	s0 =	sor.u32 s1, s0  }
0xbe: {  	s0 =	sadd.s32 $0x8F2B, s0  }
0xbf: {  	[sflag:s0] =	ssyncadd.remote.s32 $0x1  }
0xc0: {  	_ =	sfence.sel $0xFFFF  }
0xc1: {  	[dreg:$0x0] =	wrdreg $0xFFFFFFFF;
	(pc) =	sbr.abs _section_cstart, $3  }
0xc2: {  	[dreg:$0x1] =	wrdreg $0xFFFFFFFF  }
0xc3: {  	_ =	task.clear_ibuf [dreg:s8], $0x2FFFF;
	_ =	strace $0x9FFFFFFF  }
0xc4: {  	(tm) =	ssettm $0x7FFFFFFF  }
0xc5: {  	_ =	shalt  }
tec
execute0_lowered:
.L_overlay_start_1:
0x0: {  	(tag) =	ssettag $0x1  }
0x1: {  	s4 =	rddreg [dreg:$0x0]  }
0x2: {  	s2 =	rddreg [dreg:$0x1]  }
0x3: {  	s5 =	rddreg [dreg:$0x2]  }
0x4: {  	s1 =	stileid.u32;
	s0 =	rddreg [dreg:$0x3];
	s3 =	simm.s32 $0x0  }
0x5: {  	s8 =	srdreg.scid;
	s28 =	simm.s32 $0x900;
	s29 =	simm.s32 $0x1100  }
0x6: {  	s30 =	simm.s32 $0x1900;
	s31 =	simm.s32 $0x2100;
	[smem:$0x7FF] =	sst s3  }
0x7: {  	s6 =	sshll.u32 s1, $0x3;
	_ =	strace $0x80000047;
	[dreg:$0x6] =	wrdreg s28  }
0x8: {  	s8 =	sand.u32 $0x1, s8;
	s7 =	smin.u32 s6, $0x70;
	[dreg:$0x7] =	wrdreg s29  }
0x9: {  	s23 =	sshll.u32 s8, $0x2;
	s8 =	ssub.s32 $0x2, s8;
	[dreg:$0x8] =	wrdreg s30  }
0xa: {  	[dreg:$0xa] =	wrdreg s31;
	s9 =	sshrl.u32 s7, $0x3;
	s10 =	sshrl.u32 s8, $0x1  }
0xb: {  	v4 =	vlaneseq.u32;
	vm0 =	vmmov $0x1;
	s6 =	sor.u32 s23, s6;
	s4 =	sadd.s32 s9, s4;
	s8 =	ssub.s32 s8, s10  }
0xc: {  	vm1 =	vcmask $0x308;
	vm2 =	vcmask $0x70C;
	v3 =	vshrl.u32 v4, $0x3;
	s25 =	sadd.s32 s5, s6;
	s26 =	ssub.s32 s6, s7;
	s5 =	simm.s32 $0x80  }
0xd: {  	v2 =	vor.u32 $0x2, v3;
	s6 =	simm.s32 $0x1;
	s24 =	sadd.s32 $0x400, s4;
	[dreg:$0x9] =	wrdreg s25;
	v1 =	vor.u32 s26, v3;
	v3 =	vmul.u32 $0x800, v3  }
0xe: {  	vm3 =	vcmask $0xB10;
	v0 =	vand.u32 $0x3, v4;
	v4 =	vand.u32 $0x7, v4;
	s7 =	simm.s32 $0x100;
	s4 =	sadd.s32 $0x600, s4;
	[dreg:$0x4] =	wrdreg s24  }
0xf: {  	v0 =	vor.u32 s26, v0;
	v2 =	vor.u32 s26, v2;
	[dreg:$0x5] =	wrdreg s4;
	s4 =	smax.u32 s8, $0x1;
	s8 =	simm.s32 $0x3;
	v5 =	vor.u32 $0x1000, v3  }
.LBB2_1:
0x10: {  	s9 =	rddreg [dreg:$0x4]  }
0x11: {  	[tilespmem:s3], [sflag:$0x1] =	stream.linear.gather [hbm4b:s9+s3], $0x10, $0x38;
	[tilespmem:$0x2180] =	vst v63  }
0x12: {  	s10 =	rddreg [dreg:$0x5]  }
0x13: {  	[tilespmem:s5], [sflag:$0x1] =	stream.linear.gather [hbm4b:s10+s3], $0x10, $0x38;
	[tilespmem:$0x2180] =	vst v63  }
0x14: {  	_ =	swait.ge [sflag:s6], $0x10  }
0x15: {  	[sflag:s6] =	ssyncset.done $0x0  }
0x16: {  	[sflag:s6] =	ssyncadd.s32 $0xFFFFFFF0  }
0x17: {  	_ =	swait.ge [sflag:s6], $0x10  }
0x18: {  	[sflag:s6] =	ssyncset.done $0x0  }
0x19: {  	[sflag:s6] =	ssyncadd.s32 $0xFFFFFFF0  }
0x1a: {  	v6 =	vld.idx.msk [tilespmem:v0+s3+$0x0], $0xffff  }
0x1b: {  	v7 =	vld.idx.msk [tilespmem:v0+s5+$0x0], $0xffff;
	_ =	sdelay $0x3  }
0x1c: {  	v8 =	vnsel vm0, $0x0, v6  }
0x1d: {  	v9 =	vnsel vm0, $0x0, v7;
	v8 =	vxor.u32 $0x80000000, v8  }
0x1e: {  	v49 =	vxor.u32 $0x80000000, v9;
	(xrf0) =	vmax.scan.msk.u32 $0xffff, v8  }
0x1f: {  	(xrf0) =	vmax.scan.msk.u32 $0xffff, v49;
	_ =	sdelay $0x4  }
0x20: {  	v50, _, _ =	vpop (xrf0)  }
0x21: {  	(v2sf) =	vpush v50, $0xF;
	v51, _, _ =	vpop (xrf0)  }
0x22: {  	(v2sf) =	vpush v51, $0xF;
	_ =	sdelay $0x4  }
0x23: {  	v52 =	vsel vm1, $0x0, v6  }
0x24: {  	v53 =	vsel vm1, $0x0, v7;
	v8 =	vxor.u32 $0x80000000, v52  }
0x25: {  	v54 =	vxor.u32 $0x80000000, v53;
	(xrf0) =	vmax.scan.msk.u32 $0xffff, v8  }
0x26: {  	(xrf0) =	vmax.scan.msk.u32 $0xffff, v54;
	_ =	sdelay $0x4  }
0x27: {  	v55, _, _ =	vpop (xrf0)  }
0x28: {  	v56, _, _ =	vpop (xrf0);
	s12 =	spop (v2sf);
	(v2sf) =	vpush v55, $0xF  }
0x29: {  	s13 =	spop (v2sf);
	(v2sf) =	vpush v56, $0xF  }
0x2a: {  	s9 =	sshll.u32 s12, $0xE  }
0x2b: {  	s11 =	sshll.u32 s13, $0x3;
	s9 =	sand.u32 $0xFFFE0000, s9;
	s14 =	sand.u32 $0x7F, s13  }
0x2c: {  	s10 =	sxor.u32 $0x80000000, s13;
	s11 =	sand.u32 $0x7FFFFC00, s11;
	p0 =	slt.u32 s14, $0x79  }
0x2d: {  	v57 =	vsel vm2, $0x0, v6;
	s11 =	sadd.s32 s9, s11;
	s10 =	sand.u32 @!p0 $0xFFFFFF80, s10  }
0x2e: {  	v8 =	vxor.u32 $0x80000000, v57;
	s11 =	sshrl.u32 s11, $0x3;
	s10 =	sadd.s32 @!p0 $0x80, s10  }
0x2f: {  	v58 =	vsel vm2, $0x0, v7;
	(xrf0) =	vmax.scan.msk.u32 $0xffff, v8;
	s11 =	sadd.s32 s2, s11;
	p1 =	slt.s32 @!p0 s10, $0x3F80  }
0x30: {  	v59 =	vxor.u32 $0x80000000, v58;
	[tilespmem:s7], [sflag:$0x1] =	stream.linear.gather [hbm4b:s11+s3], $0x400, $0x38;
	[tilespmem:$0x2180] =	vst v63  }
0x31: {  	(xrf0) =	vmax.scan.msk.u32 $0xffff, v59;
	p1 =	por !p1, p0  }
0x32: {  	s9 =	sshrl.u32 @!p0 s9, $0x3;
	s10 =	simm.s32 @p1 $0x3F80  }
0x33: {  	s9 =	sadd.s32 @!p0 s9, s10  }
0x34: {  	s9 =	sand.u32 @!p0 $0x1FFFFF80, s9  }
0x35: {  	s11 =	simm.s32 @!p0 $0x500;
	s10 =	simm.s32 @!p0 $0x0;
	s9 =	sadd.s32 @!p0 s2, s9  }
0x36: {  	v60, _, _ =	vpop (xrf0);
	[tilespmem:s11], [sflag:$0x2] =	stream.linear.gather @!p0 [hbm4b:s9+s10], $0x400, $0x38;
	[tilespmem:$0x2180] =	vst v63  }
0x37: {  	v61, _, _ =	vpop (xrf0);
	s15 =	spop (v2sf);
	(v2sf) =	vpush v60, $0xF  }
0x38: {  	s16 =	spop (v2sf);
	(v2sf) =	vpush v61, $0xF  }
0x39: {  	s9 =	sshll.u32 s15, $0xE  }
0x3a: {  	s17 =	sshll.u32 s16, $0x3;
	s9 =	sand.u32 $0xFFFE0000, s9;
	s18 =	sand.u32 $0x7F, s16  }
0x3b: {  	s10 =	sxor.u32 $0x80000000, s16;
	s11 =	sand.u32 $0x7FFFFC00, s17;
	p1 =	slt.u32 s18, $0x79  }
0x3c: {  	v6 =	vsel vm3, $0x0, v6;
	s11 =	sadd.s32 s9, s11;
	s10 =	sand.u32 @!p1 $0xFFFFFF80, s10  }
0x3d: {  	v6 =	vxor.u32 $0x80000000, v6;
	s11 =	sshrl.u32 s11, $0x3;
	s10 =	sadd.s32 @!p1 $0x80, s10  }
0x3e: {  	(xrf0) =	vmax.scan.msk.u32 $0xffff, v6;
	v6 =	vsel vm3, $0x0, v7;
	s12 =	rddreg [dreg:$0x6];
	s11 =	sadd.s32 s2, s11;
	p2 =	slt.s32 @!p1 s10, $0x3F80  }
0x3f: {  	v6 =	vxor.u32 $0x80000000, v6;
	[tilespmem:s12], [sflag:$0x1] =	stream.linear.gather [hbm4b:s11+s3], $0x400, $0x38;
	[tilespmem:$0x2180] =	vst v63  }
0x40: {  	(xrf0) =	vmax.scan.msk.u32 $0xffff, v6;
	p2 =	por !p2, p1  }
0x41: {  	s9 =	sshrl.u32 @!p1 s9, $0x3;
	s10 =	simm.s32 @p2 $0x3F80  }
0x42: {  	s9 =	sadd.s32 @!p1 s9, s10  }
0x43: {  	s9 =	sand.u32 @!p1 $0x1FFFFF80, s9  }
0x44: {  	s11 =	simm.s32 @!p1 $0xD00;
	s10 =	simm.s32 @!p1 $0x0;
	s9 =	sadd.s32 @!p1 s2, s9  }
0x45: {  	v6, _, _ =	vpop (xrf0);
	[tilespmem:s11], [sflag:$0x2] =	stream.linear.gather @!p1 [hbm4b:s9+s10], $0x400, $0x38;
	[tilespmem:$0x2180] =	vst v63  }
0x46: {  	s19 =	spop (v2sf);
	(v2sf) =	vpush v6, $0xF;
	v6, _, _ =	vpop (xrf0)  }
0x47: {  	s20 =	spop (v2sf);
	(v2sf) =	vpush v6, $0xF  }
0x48: {  	s9 =	sshll.u32 s19, $0xE  }
0x49: {  	s21 =	sshll.u32 s20, $0x3;
	s9 =	sand.u32 $0xFFFE0000, s9;
	s23 =	sand.u32 $0x7F, s20  }
0x4a: {  	s10 =	sxor.u32 $0x80000000, s20;
	s11 =	sand.u32 $0x7FFFFC00, s21;
	p2 =	slt.u32 s23, $0x79  }
0x4b: {  	s11 =	sadd.s32 s9, s11;
	s10 =	sand.u32 @!p2 $0xFFFFFF80, s10  }
0x4c: {  	s11 =	sshrl.u32 s11, $0x3;
	s10 =	sadd.s32 @!p2 $0x80, s10  }
0x4d: {  	s22 =	rddreg [dreg:$0x7];
	s11 =	sadd.s32 s2, s11;
	p3 =	slt.s32 @!p2 s10, $0x3F80  }
0x4e: {  	[tilespmem:s22], [sflag:$0x1] =	stream.linear.gather [hbm4b:s11+s3], $0x400, $0x38;
	[tilespmem:$0x2180] =	vst v63  }
0x4f: {  	p3 =	por !p3, p2  }
0x50: {  	s9 =	sshrl.u32 @!p2 s9, $0x3;
	s10 =	simm.s32 @p3 $0x3F80  }
0x51: {  	s9 =	sadd.s32 @!p2 s9, s10  }
0x52: {  	s9 =	sand.u32 @!p2 $0x1FFFFF80, s9  }
0x53: {  	s12 =	simm.s32 @!p2 $0x1500;
	s11 =	simm.s32 @!p2 $0x0;
	s9 =	sadd.s32 @!p2 s2, s9  }
0x54: {  	[tilespmem:s12], [sflag:$0x2] =	stream.linear.gather @!p2 [hbm4b:s9+s11], $0x400, $0x38;
	[tilespmem:$0x2180] =	vst v63  }
0x55: {  	s24 =	spop (v2sf)  }
0x56: {  	s25 =	spop (v2sf);
	s10 =	sshll.u32 s24, $0xE  }
0x57: {  	s26 =	sshll.u32 s25, $0x3;
	s10 =	sand.u32 $0xFFFE0000, s10;
	s29 =	sand.u32 $0x7F, s25  }
0x58: {  	s9 =	sxor.u32 $0x80000000, s25;
	s11 =	sand.u32 $0x7FFFFC00, s26;
	p3 =	slt.u32 s29, $0x79  }
0x59: {  	s11 =	sadd.s32 s10, s11;
	s9 =	sand.u32 @!p3 $0xFFFFFF80, s9  }
0x5a: {  	s11 =	sshrl.u32 s11, $0x3;
	s9 =	sadd.s32 @!p3 $0x80, s9  }
0x5b: {  	s28 =	rddreg [dreg:$0x8];
	s11 =	sadd.s32 s2, s11;
	p4 =	slt.s32 @!p3 s9, $0x3F80  }
0x5c: {  	[tilespmem:s28], [sflag:$0x1] =	stream.linear.gather [hbm4b:s11+s3], $0x400, $0x38;
	[tilespmem:$0x2180] =	vst v63  }
0x5d: {  	p4 =	por !p4, p3  }
0x5e: {  	s10 =	sshrl.u32 @!p3 s10, $0x3;
	s9 =	simm.s32 @p4 $0x3F80  }
0x5f: {  	s9 =	sadd.s32 @!p3 s10, s9  }
0x60: {  	s9 =	sand.u32 @!p3 $0x1FFFFF80, s9  }
0x61: {  	s11 =	simm.s32 @!p3 $0x1D00;
	s10 =	simm.s32 @!p3 $0x0;
	s9 =	sadd.s32 @!p3 s2, s9  }
0x62: {  	[tilespmem:s11], [sflag:$0x2] =	stream.linear.gather @!p3 [hbm4b:s9+s10], $0x400, $0x38;
	[tilespmem:$0x2180] =	vst v63  }
0x63: {  	_ =	swait.ge [sflag:s6], $0x400  }
0x64: {  	[sflag:s6] =	ssyncset.done $0x0  }
0x65: {  	s9 =	simm.s32 @!p0 $0x2;
	[sflag:s6] =	ssyncadd.s32 $0xFFFFFC00  }
0x66: {  	_ =	swait.ge @!p0 [sflag:s9], $0x400  }
0x67: {  	[sflag:s9] =	ssyncset.done @!p0 $0x0  }
0x68: {  	[sflag:s9] =	ssyncadd.s32 @!p0 $0xFFFFFC00  }
0x69: {  	_ =	swait.ge [sflag:s6], $0x400  }
0x6a: {  	[sflag:s6] =	ssyncset.done $0x0  }
0x6b: {  	s9 =	simm.s32 @!p1 $0x2;
	[sflag:s6] =	ssyncadd.s32 $0xFFFFFC00  }
0x6c: {  	_ =	swait.ge @!p1 [sflag:s9], $0x400  }
0x6d: {  	[sflag:s9] =	ssyncset.done @!p1 $0x0  }
0x6e: {  	[sflag:s9] =	ssyncadd.s32 @!p1 $0xFFFFFC00  }
0x6f: {  	_ =	swait.ge [sflag:s6], $0x400  }
0x70: {  	[sflag:s6] =	ssyncset.done $0x0  }
0x71: {  	s9 =	simm.s32 @!p2 $0x2;
	[sflag:s6] =	ssyncadd.s32 $0xFFFFFC00  }
0x72: {  	_ =	swait.ge @!p2 [sflag:s9], $0x400  }
0x73: {  	[sflag:s9] =	ssyncset.done @!p2 $0x0  }
0x74: {  	[sflag:s9] =	ssyncadd.s32 @!p2 $0xFFFFFC00  }
0x75: {  	_ =	swait.ge [sflag:s6], $0x400  }
0x76: {  	[sflag:s6] =	ssyncset.done $0x0  }
0x77: {  	s9 =	simm.s32 @!p3 $0x2;
	[sflag:s6] =	ssyncadd.s32 $0xFFFFFC00  }
0x78: {  	_ =	swait.ge @!p3 [sflag:s9], $0x400  }
0x79: {  	[sflag:s9] =	ssyncset.done @!p3 $0x0  }
0x7a: {  	[sflag:s9] =	ssyncadd.s32 @!p3 $0xFFFFFC00  }
0x7b: {  	v6 =	vld.idx.msk [tilespmem:v1+s5+$0x0], $0xffff  }
0x7c: {  	v7 =	vld.idx.msk [tilespmem:v1+s3+$0x0], $0xffff;
	_ =	sdelay $0x3  }
0x7d: {  	v6 =	vand.u32 $0x7F, v6  }
0x7e: {  	v7 =	vshll.u32 v7, $0x7;
	v6 =	vadd.s32 v4, v6  }
0x7f: {  	v7 =	vand.u32 $0x380, v7;
	v62 =	vand.u32 $0x7F, v6;
	v6 =	vshll.u32 v6, $0x3  }
0x80: {  	v6 =	vand.u32 $0x400, v6;
	v7 =	vor.u32 v62, v7  }
0x81: {  	v6 =	vor.u32 v6, v7  }
0x82: {  	v6 =	vor.u32 v3, v6;
	_ =	sdelay $0x4  }
0x83: {  	v6 =	vld.idx.msk [tilespmem:v6+s7+$0x0], $0xffff;
	_ =	sdelay $0x4  }
0x84: {  	[tilespmem:$0x2100] =	vst v6  }
0x85: {  	v6 =	vld.idx.msk [tilespmem:v2+s5+$0x0], $0xffff  }
0x86: {  	v7 =	vld.idx.msk [tilespmem:v2+s3+$0x0], $0xffff;
	_ =	sdelay $0x3  }
0x87: {  	v6 =	vand.u32 $0x7F, v6  }
0x88: {  	v7 =	vshll.u32 v7, $0x7;
	v6 =	vadd.s32 v4, v6  }
0x89: {  	v7 =	vand.u32 $0x380, v7;
	v63 =	vand.u32 $0x7F, v6;
	v6 =	vshll.u32 v6, $0x3  }
0x8a: {  	v6 =	vand.u32 $0x400, v6;
	v7 =	vor.u32 v63, v7  }
0x8b: {  	v6 =	vor.u32 v6, v7  }
0x8c: {  	v6 =	vor.u32 v5, v6;
	_ =	sdelay $0x4  }
0x8d: {  	v6 =	vld.idx.msk [tilespmem:v6+s7+$0x0], $0xffff;
	_ =	sdelay $0x2  }
0x8e: {  	s4 =	sadd.s32 $0xFFFFFFFF, s4  }
0x8f: {  	p0 =	sne.s32 s4, $0x0;
	s30 =	rddreg [dreg:$0x9]  }
.Ltmp0:
0x90: {  	s31 =	rddreg [dreg:$0xa];
	[tilespmem:$0x2110] =	vst v6;
	(pc) =	sbr.rel @p0 .LBB2_1-.Ltmp0, $4  }
0x91: {  	[hbm4b:s30+s3] =	stream.linear.scatter [tilespmem:s31], [sflag:$0x3], $0x20, $0x38;
	[tilespmem:$0x2180] =	vst v63  }
0x92: {  	_ =	swait.ge [sflag:s8], $0x20  }
0x93: {  	[sflag:s8] =	ssyncset.done $0x0  }
0x94: {  	[sflag:s8] =	ssyncadd.s32 $0xFFFFFFE0  }
0x95: {  	_ =	sfence.sel $0x180000  }
0x96: {  	[bflag:$0x0] =	sbarrier.arrive $0xFFFF  }
0x97: {  	p0 =	sne.s32 s1, $0x0;
	_ =	strace $0x90000047  }
0x98: {  	s0 =	sadd.s32 @!p0 $0x100000, s0;
	[bflag:$0x2] =	sbarrier.arrive $0xFFFF  }
0x99: {  	[sflag:s0] =	ssyncadd.tile.s32 @!p0 $0x1;
	_ =	shalt  }
.Lfunc_end2:
_tile_overlayer_lowered:
.L_overlay_start_2:
0x9a: {  	(tag) =	ssettag $0x2  }
0x9b: {  	s0 =	rddreg [dreg:$0x0];
	s2 =	stileid.u32  }
0x9c: {  	s1 =	rddreg [dreg:$0x1];
	p0 =	sne.s32 s2, $0x0  }
0x9d: {  	s3 =	rddreg [dreg:$0x2];
	[bflag:$0x3] =	sbarrier.arrive $0xFFFF;
	s2 =	simm.s32 @!p0 $0x1C03  }
0x9e: {  	[timem:s3], [sflag:s2] =	dma.local @!p0 [hbm:s0], s1  }
0x9f: {  	s0 =	simm.s32 @!p0 $0x3  }
0xa0: {  	_ =	swait.ge @!p0 [sflag:s0], s1  }
0xa1: {  	s1 =	ssub.s32 @!p0 $0x0, s1;
	[sflag:s0] =	ssyncset.done @!p0 $0x0  }
0xa2: {  	[sflag:s0] =	ssyncadd.s32 @!p0 s1  }
0xa3: {  	[bflag:$0x3] =	sbarrier.arrive $0xFFFF  }
0xa4: {  	_ =	shalt  }

</sc_bundles>
